<compile_context>
chip_gen: v7x
topology: tpu7x:2x2x1
jax: 0.10.2.dev20260603
libtpu: 0.0.44.dev20260713+nightly
codegen_flags: <defaults>
</compile_context>

<pallas_src>
import functools

import jax
import jax.numpy as jnp
from jax import lax
from jax.experimental import pallas as pl
from jax.experimental.pallas import tpu as pltpu
from jax.experimental.pallas import tpu_sc as plsc

N_CODES = 8192
CODE_DIM = 256
COMMITMENT_COST = 0.25

M_BLK = 4096
K_BLK = 2048


C_BLK = 512


def _argmin_body(zsq_ref, wsq_ref, z2b_ref, wb_ref, idx_out,
                 minval_s, minidx_s):
    k = pl.program_id(1)
    nk = pl.num_programs(1)

    zsq = zsq_ref[...]
    z2b = z2b_ref[...]
    big = jnp.int32(jnp.iinfo(jnp.int32).max)
    iota128 = jax.lax.broadcasted_iota(jnp.int32, (M_BLK, 128), 1)

    acc_v = None
    acc_c = None
    for c in range(K_BLK // C_BLK):
        wb_c = wb_ref[pl.ds(c * C_BLK, C_BLK), :]
        mm_c = jax.lax.dot_general(
            z2b, wb_c,
            dimension_numbers=(((1,), (1,)), ((), ())),
            preferred_element_type=jnp.float32)
        dc = (zsq + wsq_ref[:, pl.ds(c * C_BLK, C_BLK)]) - mm_c
        for h in range(C_BLK // 128):
            cand = dc[:, h * 128:(h + 1) * 128]
            vid = c * (C_BLK // 128) + h
            if acc_v is None:
                acc_v = cand
                acc_c = jnp.zeros((M_BLK, 128), jnp.int32)
            else:
                better = cand < acc_v
                acc_v = jnp.where(better, cand, acc_v)
                acc_c = jnp.where(better,
                                  jnp.full((M_BLK, 128), vid, jnp.int32),
                                  acc_c)

    lm = jnp.min(acc_v, axis=1, keepdims=True)
    col = acc_c * 128 + iota128
    li = jnp.min(jnp.where(acc_v == lm, col, big),
                 axis=1, keepdims=True) + k * K_BLK

    @pl.when(k == 0)
    def _():
        minval_s[...] = lm.astype(jnp.bfloat16).astype(jnp.float32)
        minidx_s[...] = li

    @pl.when(k > 0)
    def _():
        m = minval_s[...]
        i = minidx_s[...]
        better = (lm < m) | ((lm == m) & (li < i))
        minidx_s[...] = jnp.where(better, li, i)
        minval_s[...] = jnp.where(better, lm, m).astype(
            jnp.bfloat16).astype(jnp.float32)

    @pl.when(k == nk - 1)
    def _():
        idx_out[...] = minidx_s[...]


def _argmin_call(z2b, wb, zsq, wsq):
    M = z2b.shape[0]
    grid = (M // M_BLK, N_CODES // K_BLK)
    return pl.pallas_call(
        _argmin_body,
        grid=grid,
        in_specs=[
            pl.BlockSpec((M_BLK, 1), lambda m, k: (m, 0)),
            pl.BlockSpec((1, K_BLK), lambda m, k: (0, k)),
            pl.BlockSpec((M_BLK, CODE_DIM), lambda m, k: (m, 0)),
            pl.BlockSpec((K_BLK, CODE_DIM), lambda m, k: (k, 0)),
        ],
        out_specs=pl.BlockSpec((M_BLK, 1), lambda m, k: (m, 0)),
        out_shape=jax.ShapeDtypeStruct((M, 1), jnp.int32),
        scratch_shapes=[
            pltpu.VMEM((M_BLK, 1), jnp.float32),
            pltpu.VMEM((M_BLK, 1), jnp.int32),
        ],
    )(zsq, wsq, z2b, wb)


NW = 32
BPW = 8192 // NW


def _sc_gather_counts(W, idx2d, zeros):
    mesh = plsc.VectorSubcoreMesh(core_axis_name="c", subcore_axis_name="s")

    @functools.partial(
        pl.kernel, mesh=mesh,
        out_type=[
            jax.ShapeDtypeStruct((8192, CODE_DIM), jnp.float32),
            jax.ShapeDtypeStruct((2, N_CODES), jnp.float32),
        ],
        scratch_types=[
            pltpu.VMEM((BPW // 128, 128), jnp.int32),
            pltpu.VMEM((BPW, CODE_DIM), jnp.float32),
            pltpu.VMEM_SHARED((N_CODES,), jnp.float32),
            pltpu.VMEM((128,), jnp.float32),
            pltpu.SemaphoreType.DMA,
        ],
    )
    def body(w_hbm, idx2_hbm, zeros_hbm, zq_hbm, cnt_hbm,
             idx_v, rows_v, cnt_sh, ones_v, sem):
        sid = lax.axis_index("s")
        cid = lax.axis_index("c")
        wid = sid * 2 + cid
        nrow = BPW // 128

        @pl.when(sid == 0)
        def _():
            pltpu.sync_copy(zeros_hbm, cnt_sh)

        pltpu.sync_copy(idx2_hbm.at[pl.ds(wid * nrow, nrow), :], idx_v)
        for i in range(8):
            ones_v[pl.ds(i * 16, 16)] = jnp.ones((16,), jnp.float32)
        plsc.subcore_barrier()
        for j in range(nrow):
            pltpu.async_copy(w_hbm.at[idx_v.at[j]],
                             rows_v.at[pl.ds(j * 128, 128), :], sem).wait()
            pltpu.sync_copy(ones_v, cnt_sh.at[idx_v.at[j]], add=True)
        pltpu.sync_copy(rows_v, zq_hbm.at[pl.ds(wid * BPW, BPW), :])
        plsc.subcore_barrier()

        @pl.when(sid == 0)
        def _():
            pltpu.sync_copy(cnt_sh, cnt_hbm.at[cid])

    return body(W, idx2d, zeros)


EPS_LOG = 1e-10


def _epi_body(z_ref, zq_ref, cnt_ref, st_out, loss_out, perp_out, ss_s):
    m = pl.program_id(0)
    nm = pl.num_programs(0)
    z = z_ref[...]
    zq = zq_ref[...]
    st_out[...] = z + (zq - z)
    diff = z - zq
    s = jnp.sum(diff * diff, keepdims=True)[:1, :1]

    @pl.when(m == 0)
    def _():
        ss_s[...] = s
        c = jnp.sum(cnt_ref[...], axis=0, keepdims=True)
        p = c * (1.0 / 8192.0)
        ent = jnp.sum(p * jnp.log(p + EPS_LOG), keepdims=True)[:1, :1]
        perp_out[...] = jnp.exp(-ent)

    @pl.when(m > 0)
    def _():
        ss_s[...] = ss_s[...] + s

    @pl.when(m == nm - 1)
    def _():
        mean = ss_s[...] * (1.0 / (8192.0 * CODE_DIM))
        loss_out[...] = mean * COMMITMENT_COST + mean


def _epilogue_call(z_flat, zq_flat, counts):
    M = z_flat.shape[0]
    grid = (M // M_BLK,)
    return pl.pallas_call(
        _epi_body,
        grid=grid,
        in_specs=[
            pl.BlockSpec((M_BLK, CODE_DIM), lambda m: (m, 0)),
            pl.BlockSpec((M_BLK, CODE_DIM), lambda m: (m, 0)),
            pl.BlockSpec((2, N_CODES), lambda m: (0, 0)),
        ],
        out_specs=[
            pl.BlockSpec((M_BLK, CODE_DIM), lambda m: (m, 0)),
            pl.BlockSpec((1, 1), lambda m: (0, 0)),
            pl.BlockSpec((1, 1), lambda m: (0, 0)),
        ],
        out_shape=[
            jax.ShapeDtypeStruct((M, CODE_DIM), jnp.float32),
            jax.ShapeDtypeStruct((1, 1), jnp.float32),
            jax.ShapeDtypeStruct((1, 1), jnp.float32),
        ],
        scratch_shapes=[pltpu.VMEM((1, 1), jnp.float32)],
    )(z_flat, zq_flat, counts)


def kernel(z, W):
    B, N, D = z.shape
    z_flat = z.reshape(-1, D)
    zsq = jnp.sum(z_flat ** 2, axis=1, keepdims=True)
    wsq = jnp.sum(W ** 2, axis=1)[None, :]
    z2b = (2.0 * z_flat).astype(jnp.bfloat16)
    wb = W.astype(jnp.bfloat16)

    idx2 = _argmin_call(z2b, wb, zsq, wsq)
    indices_flat = idx2[:, 0]
    indices = indices_flat.reshape(B, N)

    idx2d = indices_flat.reshape(8192 // 128, 128)
    zeros = jnp.zeros((N_CODES,), jnp.float32)
    zq_flat, counts = _sc_gather_counts(W, idx2d, zeros)

    zq_st_flat, loss, perp = _epilogue_call(z_flat, zq_flat, counts)
    z_q_st = zq_st_flat.reshape(B, N, D)
    return (z_q_st, indices, loss.reshape(()), perp.reshape(()))

# --- scband reference (transcript-rebuilt; emitter-appended) ---
"""Pipeline reference for scband-vector-quantizer-48687749267721 (READ-ONLY COPY).

The authoritative reference and input builder live on the scoring server;
editing this copy changes nothing except your own understanding.
"""

import jax, jax.numpy as jnp
import numpy as np

N_CODES = 8192
CODE_DIM = 256
COMMITMENT_COST = 0.25


def setup_inputs(seed: int = 0) -> dict:
    key = jax.random.key(seed)
    k1, k2 = jax.random.split(key)
    z = jax.random.normal(k1, (8, 1024, 256), dtype=jnp.float32)
    W = jax.random.uniform(k2, (N_CODES, CODE_DIM), dtype=jnp.float32,
                           minval=-1.0 / N_CODES, maxval=1.0 / N_CODES)
    return {"z": z, "W": W}


def reference(z, W):
    B, N, D = z.shape
    n_codes = W.shape[0]
    z_flat = z.reshape(-1, D)
    # pairwise squared distances: ||z||^2 + ||w||^2 - 2 z w^T
    d = (jnp.sum(z_flat ** 2, axis=1, keepdims=True)
         + jnp.sum(W ** 2, axis=1)
         - 2.0 * z_flat @ W.T)
    indices_flat = jnp.argmin(d, axis=-1)
    z_q_flat = jnp.take(W, indices_flat, axis=0)
    z_q = z_q_flat.reshape(B, N, D)
    indices = indices_flat.reshape(B, N)
    # training=True loss path (EMA buffer updates do not affect returned values)
    commitment_loss = jnp.mean((z - jax.lax.stop_gradient(z_q)) ** 2)
    codebook_loss = jnp.mean((z_q - jax.lax.stop_gradient(z)) ** 2)
    vq_loss = commitment_loss * COMMITMENT_COST + codebook_loss
    # straight-through estimator
    z_q_st = z + jax.lax.stop_gradient(z_q - z)
    # perplexity (no-grad)
    counts = jnp.bincount(indices_flat, length=n_codes).astype(jnp.float32)
    avg_probs = counts / indices_flat.shape[0]
    perplexity = jnp.exp(-jnp.sum(avg_probs * jnp.log(avg_probs + 1e-10)))
    return (z_q_st, indices, vq_loss, perplexity)

if __name__ == "__main__":
    import jax
    _d = setup_inputs()
    print(jax.jit(kernel)(*tuple(_d.values())))

</pallas_src>

<mosaic_0001>
#map = affine_map<(d0, d1) -> (0, 0)>
#map1 = affine_map<(d0, d1) -> (0)>
module attributes {stable_mosaic.version = 14 : i64} {
  func.func @body(%arg0: i32, %arg1: i32, %arg2: memref<8192x256xf32, #tpu.memory_space<hbm>>, %arg3: memref<64x128xi32, #tpu.memory_space<hbm>>, %arg4: memref<8192xf32, #tpu.memory_space<hbm>>, %arg5: memref<8192x256xf32, #tpu.memory_space<hbm>>, %arg6: memref<2x8192xf32, #tpu.memory_space<hbm>>, %arg7: memref<2x128xi32, #tpu.memory_space<vmem>>, %arg8: memref<256x256xf32, #tpu.memory_space<vmem>>, %arg9: memref<8192xf32, #tpu.memory_space<vmem_shared>>, %arg10: memref<128xf32, #tpu.memory_space<vmem>>, %arg11: memref<!tpu.dma_semaphore, #tpu.memory_space<semaphore_mem>>) attributes {dimension_semantics = [#tpu.dimension_semantics<core_parallel>, #tpu.dimension_semantics<subcore_parallel>], iteration_bounds = array<i64: 2, 16>, scalar_prefetch = 0 : i64, scratch_operands = 5 : i64, tpu.core_type = #tpu.core_type<sc_vector_subcore>, window_params = [{transform_indices = #map}, {transform_indices = #map}, {transform_indices = #map1}, {transform_indices = #map}, {transform_indices = #map}]} {
    %mul3A = arith.constant 2 : i32
    %mul3A_0 = arith.muli %arg1, %mul3A : i32
    %add3A = arith.addi %mul3A_0, %arg0 : i32
    %eq3A = arith.constant 0 : i32
    %eq3A_1 = arith.cmpi eq, %arg1, %eq3A : i32
    %convert_element_type3A = arith.extui %eq3A_1 : i1 to i32
    %cond3A = arith.constant 0 : i32
    %cond3A_2 = arith.cmpi ne, %convert_element_type3A, %cond3A : i32
    scf.if %cond3A_2 {
      "tpu.region"() ({
        %run_scoped3A_98 = tpu.sem_alloc : memref<!tpu.dma_semaphore, #tpu.memory_space<semaphore_mem>>
        tpu.enqueue_dma source(%arg4 : memref<8192xf32, #tpu.memory_space<hbm>>) target(%arg9 : memref<8192xf32, #tpu.memory_space<vmem_shared>>) target_semaphore(%run_scoped3A_98 : memref<!tpu.dma_semaphore, #tpu.memory_space<semaphore_mem>>)
        tpu.wait_dma2 semaphore(%run_scoped3A_98 : memref<!tpu.dma_semaphore, #tpu.memory_space<semaphore_mem>>) src(%arg4 : memref<8192xf32, #tpu.memory_space<hbm>>) dst(%arg9 : memref<8192xf32, #tpu.memory_space<vmem_shared>>)
        tpu.yield
      }) : () -> ()
    } else {
    }
    %mul3A_3 = arith.constant 2 : i32
    %mul3A_4 = arith.muli %add3A, %mul3A_3 : i32
    "tpu.region"() ({
      %run_scoped3A_98 = tpu.sem_alloc : memref<!tpu.dma_semaphore, #tpu.memory_space<semaphore_mem>>
      %dma_start3A_99 = arith.constant 0 : i32
      %dma_start3A_100 = tpu.memref_slice %arg3[%mul3A_4, %dma_start3A_99] : memref<64x128xi32, #tpu.memory_space<hbm>> -> memref<2x128xi32, #tpu.memory_space<hbm>>
      %dma_start3A_101 = arith.constant 0 : i32
      %dma_start3A_102 = tpu.memref_slice %arg3[%mul3A_4, %dma_start3A_101] : memref<64x128xi32, #tpu.memory_space<hbm>> -> memref<2x128xi32, #tpu.memory_space<hbm>>
      tpu.enqueue_dma source(%dma_start3A_102 : memref<2x128xi32, #tpu.memory_space<hbm>>) target(%arg7 : memref<2x128xi32, #tpu.memory_space<vmem>>) target_semaphore(%run_scoped3A_98 : memref<!tpu.dma_semaphore, #tpu.memory_space<semaphore_mem>>)
      %dma_wait3A_103 = arith.constant 0 : i32
      %dma_wait3A_104 = tpu.memref_slice %arg3[%mul3A_4, %dma_wait3A_103] : memref<64x128xi32, #tpu.memory_space<hbm>> -> memref<2x128xi32, #tpu.memory_space<hbm>>
      %dma_wait3A_105 = arith.constant 0 : i32
      %dma_wait3A_106 = tpu.memref_slice %arg3[%mul3A_4, %dma_wait3A_105] : memref<64x128xi32, #tpu.memory_space<hbm>> -> memref<2x128xi32, #tpu.memory_space<hbm>>
      tpu.wait_dma2 semaphore(%run_scoped3A_98 : memref<!tpu.dma_semaphore, #tpu.memory_space<semaphore_mem>>) src(%dma_wait3A_106 : memref<2x128xi32, #tpu.memory_space<hbm>>) dst(%arg7 : memref<2x128xi32, #tpu.memory_space<vmem>>)
      tpu.yield
    }) : () -> ()
    %broadcast_in_dim3A = arith.constant 1.000000e+00 : f32
    %broadcast_in_dim3A_5 = vector.broadcast %broadcast_in_dim3A : f32 to vector<16xf32>
    %swap3A = arith.constant 0 : index
    %swap3A_6 = tpu.vector_load %arg10[%swap3A] {strides = array<i32>} : memref<128xf32, #tpu.memory_space<vmem>>, vector<16xf32>,
    %swap3A_7 = vector.shape_cast %swap3A_6 : vector<16xf32> to vector<16xf32>
    %swap3A_8 = vector.shape_cast %broadcast_in_dim3A_5 : vector<16xf32> to vector<16xf32>
    tpu.vector_store %arg10[%swap3A], %swap3A_8 {strides = array<i32>} : memref<128xf32, #tpu.memory_space<vmem>>, vector<16xf32>,
    %broadcast_in_dim3A_9 = arith.constant 1.000000e+00 : f32
    %broadcast_in_dim3A_10 = vector.broadcast %broadcast_in_dim3A_9 : f32 to vector<16xf32>
    %swap3A_11 = arith.constant 16 : index
    %swap3A_12 = tpu.vector_load %arg10[%swap3A_11] {strides = array<i32>} : memref<128xf32, #tpu.memory_space<vmem>>, vector<16xf32>,
    %swap3A_13 = vector.shape_cast %swap3A_12 : vector<16xf32> to vector<16xf32>
    %swap3A_14 = vector.shape_cast %broadcast_in_dim3A_10 : vector<16xf32> to vector<16xf32>
    tpu.vector_store %arg10[%swap3A_11], %swap3A_14 {strides = array<i32>} : memref<128xf32, #tpu.memory_space<vmem>>, vector<16xf32>,
    %broadcast_in_dim3A_15 = arith.constant 1.000000e+00 : f32
    %broadcast_in_dim3A_16 = vector.broadcast %broadcast_in_dim3A_15 : f32 to vector<16xf32>
    %swap3A_17 = arith.constant 32 : index
    %swap3A_18 = tpu.vector_load %arg10[%swap3A_17] {strides = array<i32>} : memref<128xf32, #tpu.memory_space<vmem>>, vector<16xf32>,
    %swap3A_19 = vector.shape_cast %swap3A_18 : vector<16xf32> to vector<16xf32>
    %swap3A_20 = vector.shape_cast %broadcast_in_dim3A_16 : vector<16xf32> to vector<16xf32>
    tpu.vector_store %arg10[%swap3A_17], %swap3A_20 {strides = array<i32>} : memref<128xf32, #tpu.memory_space<vmem>>, vector<16xf32>,
    %broadcast_in_dim3A_21 = arith.constant 1.000000e+00 : f32
    %broadcast_in_dim3A_22 = vector.broadcast %broadcast_in_dim3A_21 : f32 to vector<16xf32>
    %swap3A_23 = arith.constant 48 : index
    %swap3A_24 = tpu.vector_load %arg10[%swap3A_23] {strides = array<i32>} : memref<128xf32, #tpu.memory_space<vmem>>, vector<16xf32>,
    %swap3A_25 = vector.shape_cast %swap3A_24 : vector<16xf32> to vector<16xf32>
    %swap3A_26 = vector.shape_cast %broadcast_in_dim3A_22 : vector<16xf32> to vector<16xf32>
    tpu.vector_store %arg10[%swap3A_23], %swap3A_26 {strides = array<i32>} : memref<128xf32, #tpu.memory_space<vmem>>, vector<16xf32>,
    %broadcast_in_dim3A_27 = arith.constant 1.000000e+00 : f32
    %broadcast_in_dim3A_28 = vector.broadcast %broadcast_in_dim3A_27 : f32 to vector<16xf32>
    %swap3A_29 = arith.constant 64 : index
    %swap3A_30 = tpu.vector_load %arg10[%swap3A_29] {strides = array<i32>} : memref<128xf32, #tpu.memory_space<vmem>>, vector<16xf32>,
    %swap3A_31 = vector.shape_cast %swap3A_30 : vector<16xf32> to vector<16xf32>
    %swap3A_32 = vector.shape_cast %broadcast_in_dim3A_28 : vector<16xf32> to vector<16xf32>
    tpu.vector_store %arg10[%swap3A_29], %swap3A_32 {strides = array<i32>} : memref<128xf32, #tpu.memory_space<vmem>>, vector<16xf32>,
    %broadcast_in_dim3A_33 = arith.constant 1.000000e+00 : f32
    %broadcast_in_dim3A_34 = vector.broadcast %broadcast_in_dim3A_33 : f32 to vector<16xf32>
    %swap3A_35 = arith.constant 80 : index
    %swap3A_36 = tpu.vector_load %arg10[%swap3A_35] {strides = array<i32>} : memref<128xf32, #tpu.memory_space<vmem>>, vector<16xf32>,
    %swap3A_37 = vector.shape_cast %swap3A_36 : vector<16xf32> to vector<16xf32>
    %swap3A_38 = vector.shape_cast %broadcast_in_dim3A_34 : vector<16xf32> to vector<16xf32>
    tpu.vector_store %arg10[%swap3A_35], %swap3A_38 {strides = array<i32>} : memref<128xf32, #tpu.memory_space<vmem>>, vector<16xf32>,
    %broadcast_in_dim3A_39 = arith.constant 1.000000e+00 : f32
    %broadcast_in_dim3A_40 = vector.broadcast %broadcast_in_dim3A_39 : f32 to vector<16xf32>
    %swap3A_41 = arith.constant 96 : index
    %swap3A_42 = tpu.vector_load %arg10[%swap3A_41] {strides = array<i32>} : memref<128xf32, #tpu.memory_space<vmem>>, vector<16xf32>,
    %swap3A_43 = vector.shape_cast %swap3A_42 : vector<16xf32> to vector<16xf32>
    %swap3A_44 = vector.shape_cast %broadcast_in_dim3A_40 : vector<16xf32> to vector<16xf32>
    tpu.vector_store %arg10[%swap3A_41], %swap3A_44 {strides = array<i32>} : memref<128xf32, #tpu.memory_space<vmem>>, vector<16xf32>,
    %broadcast_in_dim3A_45 = arith.constant 1.000000e+00 : f32
    %broadcast_in_dim3A_46 = vector.broadcast %broadcast_in_dim3A_45 : f32 to vector<16xf32>
    %swap3A_47 = arith.constant 112 : index
    %swap3A_48 = tpu.vector_load %arg10[%swap3A_47] {strides = array<i32>} : memref<128xf32, #tpu.memory_space<vmem>>, vector<16xf32>,
    %swap3A_49 = vector.shape_cast %swap3A_48 : vector<16xf32> to vector<16xf32>
    %swap3A_50 = vector.shape_cast %broadcast_in_dim3A_46 : vector<16xf32> to vector<16xf32>
    tpu.vector_store %arg10[%swap3A_47], %swap3A_50 {strides = array<i32>} : memref<128xf32, #tpu.memory_space<vmem>>, vector<16xf32>,
    %barrier3A = arith.constant 0 : index
    tpu.barrier barrier_id(%barrier3A)
    %dma_start3A = arith.constant 0 : i32
    %dma_start3A_51 = arith.constant 0 : i32
    %dma_start3A_52 = arith.constant 0 : i32
    %dma_start3A_53 = tpu.memref_slice %arg8[%dma_start3A_51, %dma_start3A_52] : memref<256x256xf32, #tpu.memory_space<vmem>> -> memref<128x256xf32, #tpu.memory_space<vmem>>
    %dma_start3A_54 = arith.constant 0 : i32
    %dma_start3A_55 = tpu.memref_slice %arg7[%dma_start3A, %dma_start3A_54] : memref<2x128xi32, #tpu.memory_space<vmem>> -> memref<1x128xi32, #tpu.memory_space<vmem>>
    %dma_start3A_56 = tpu.memref_squeeze %dma_start3A_55 : memref<1x128xi32, #tpu.memory_space<vmem>> -> memref<128xi32, #tpu.memory_space<vmem>>
    %dma_start3A_57 = arith.constant 0 : i32
    %dma_start3A_58 = arith.constant 0 : i32
    %dma_start3A_59 = tpu.memref_slice %arg2[%dma_start3A_57, %dma_start3A_58] : memref<8192x256xf32, #tpu.memory_space<hbm>> -> memref<8192x256xf32, #tpu.memory_space<hbm>>
    tpu.enqueue_indirect_dma source(%dma_start3A_59 : memref<8192x256xf32, #tpu.memory_space<hbm>>) target(%dma_start3A_53 : memref<128x256xf32, #tpu.memory_space<vmem>>) offsets(%dma_start3A_56 : memref<128xi32, #tpu.memory_space<vmem>>) semaphore(%arg11 : memref<!tpu.dma_semaphore, #tpu.memory_space<semaphore_mem>>)
    %dma_wait3A = arith.constant 0 : i32
    %dma_wait3A_60 = arith.constant 0 : i32
    %dma_wait3A_61 = arith.constant 0 : i32
    %dma_wait3A_62 = tpu.memref_slice %arg8[%dma_wait3A_60, %dma_wait3A_61] : memref<256x256xf32, #tpu.memory_space<vmem>> -> memref<128x256xf32, #tpu.memory_space<vmem>>
    %dma_wait3A_63 = arith.constant 0 : i32
    %dma_wait3A_64 = tpu.memref_slice %arg7[%dma_wait3A, %dma_wait3A_63] : memref<2x128xi32, #tpu.memory_space<vmem>> -> memref<1x128xi32, #tpu.memory_space<vmem>>
    %dma_wait3A_65 = tpu.memref_squeeze %dma_wait3A_64 : memref<1x128xi32, #tpu.memory_space<vmem>> -> memref<128xi32, #tpu.memory_space<vmem>>
    %dma_wait3A_66 = arith.constant 0 : i32
    %dma_wait3A_67 = arith.constant 0 : i32
    %dma_wait3A_68 = tpu.memref_slice %arg2[%dma_wait3A_66, %dma_wait3A_67] : memref<8192x256xf32, #tpu.memory_space<hbm>> -> memref<8192x256xf32, #tpu.memory_space<hbm>>
    tpu.wait_indirect_dma semaphore(%arg11 : memref<!tpu.dma_semaphore, #tpu.memory_space<semaphore_mem>>) src(%dma_wait3A_68 : memref<8192x256xf32, #tpu.memory_space<hbm>>) dst(%dma_wait3A_62 : memref<128x256xf32, #tpu.memory_space<vmem>>)
    %run_scoped3A = arith.constant 0 : i32
    "tpu.region"() ({
      %run_scoped3A_98 = tpu.sem_alloc : memref<!tpu.dma_semaphore, #tpu.memory_space<semaphore_mem>>
      %dma_start3A_99 = arith.constant 0 : i32
      %dma_start3A_100 = tpu.memref_slice %arg7[%run_scoped3A, %dma_start3A_99] : memref<2x128xi32, #tpu.memory_space<vmem>> -> memref<1x128xi32, #tpu.memory_space<vmem>>
      %dma_start3A_101 = tpu.memref_squeeze %dma_start3A_100 : memref<1x128xi32, #tpu.memory_space<vmem>> -> memref<128xi32, #tpu.memory_space<vmem>>
      %dma_start3A_102 = arith.constant 0 : i32
      %dma_start3A_103 = tpu.memref_slice %arg9[%dma_start3A_102] : memref<8192xf32, #tpu.memory_space<vmem_shared>> -> memref<8192xf32, #tpu.memory_space<vmem_shared>>
      tpu.enqueue_indirect_dma source(%arg10 : memref<128xf32, #tpu.memory_space<vmem>>) target(%dma_start3A_103 : memref<8192xf32, #tpu.memory_space<vmem_shared>>) offsets(%dma_start3A_101 : memref<128xi32, #tpu.memory_space<vmem>>) semaphore(%run_scoped3A_98 : memref<!tpu.dma_semaphore, #tpu.memory_space<semaphore_mem>>) {add = true}
      %dma_wait3A_104 = arith.constant 0 : i32
      %dma_wait3A_105 = tpu.memref_slice %arg7[%run_scoped3A, %dma_wait3A_104] : memref<2x128xi32, #tpu.memory_space<vmem>> -> memref<1x128xi32, #tpu.memory_space<vmem>>
      %dma_wait3A_106 = tpu.memref_squeeze %dma_wait3A_105 : memref<1x128xi32, #tpu.memory_space<vmem>> -> memref<128xi32, #tpu.memory_space<vmem>>
      %dma_wait3A_107 = arith.constant 0 : i32
      %dma_wait3A_108 = tpu.memref_slice %arg9[%dma_wait3A_107] : memref<8192xf32, #tpu.memory_space<vmem_shared>> -> memref<8192xf32, #tpu.memory_space<vmem_shared>>
      tpu.wait_indirect_dma semaphore(%run_scoped3A_98 : memref<!tpu.dma_semaphore, #tpu.memory_space<semaphore_mem>>) src(%arg10 : memref<128xf32, #tpu.memory_space<vmem>>) dst(%dma_wait3A_108 : memref<8192xf32, #tpu.memory_space<vmem_shared>>)
      tpu.yield
    }) : () -> ()
    %dma_start3A_69 = arith.constant 1 : i32
    %dma_start3A_70 = arith.constant 128 : i32
    %dma_start3A_71 = arith.constant 0 : i32
    %dma_start3A_72 = tpu.memref_slice %arg8[%dma_start3A_70, %dma_start3A_71] : memref<256x256xf32, #tpu.memory_space<vmem>> -> memref<128x256xf32, #tpu.memory_space<vmem>>
    %dma_start3A_73 = arith.constant 0 : i32
    %dma_start3A_74 = tpu.memref_slice %arg7[%dma_start3A_69, %dma_start3A_73] : memref<2x128xi32, #tpu.memory_space<vmem>> -> memref<1x128xi32, #tpu.memory_space<vmem>>
    %dma_start3A_75 = tpu.memref_squeeze %dma_start3A_74 : memref<1x128xi32, #tpu.memory_space<vmem>> -> memref<128xi32, #tpu.memory_space<vmem>>
    %dma_start3A_76 = arith.constant 0 : i32
    %dma_start3A_77 = arith.constant 0 : i32
    %dma_start3A_78 = tpu.memref_slice %arg2[%dma_start3A_76, %dma_start3A_77] : memref<8192x256xf32, #tpu.memory_space<hbm>> -> memref<8192x256xf32, #tpu.memory_space<hbm>>
    tpu.enqueue_indirect_dma source(%dma_start3A_78 : memref<8192x256xf32, #tpu.memory_space<hbm>>) target(%dma_start3A_72 : memref<128x256xf32, #tpu.memory_space<vmem>>) offsets(%dma_start3A_75 : memref<128xi32, #tpu.memory_space<vmem>>) semaphore(%arg11 : memref<!tpu.dma_semaphore, #tpu.memory_space<semaphore_mem>>)
    %dma_wait3A_79 = arith.constant 1 : i32
    %dma_wait3A_80 = arith.constant 128 : i32
    %dma_wait3A_81 = arith.constant 0 : i32
    %dma_wait3A_82 = tpu.memref_slice %arg8[%dma_wait3A_80, %dma_wait3A_81] : memref<256x256xf32, #tpu.memory_space<vmem>> -> memref<128x256xf32, #tpu.memory_space<vmem>>
    %dma_wait3A_83 = arith.constant 0 : i32
    %dma_wait3A_84 = tpu.memref_slice %arg7[%dma_wait3A_79, %dma_wait3A_83] : memref<2x128xi32, #tpu.memory_space<vmem>> -> memref<1x128xi32, #tpu.memory_space<vmem>>
    %dma_wait3A_85 = tpu.memref_squeeze %dma_wait3A_84 : memref<1x128xi32, #tpu.memory_space<vmem>> -> memref<128xi32, #tpu.memory_space<vmem>>
    %dma_wait3A_86 = arith.constant 0 : i32
    %dma_wait3A_87 = arith.constant 0 : i32
    %dma_wait3A_88 = tpu.memref_slice %arg2[%dma_wait3A_86, %dma_wait3A_87] : memref<8192x256xf32, #tpu.memory_space<hbm>> -> memref<8192x256xf32, #tpu.memory_space<hbm>>
    tpu.wait_indirect_dma semaphore(%arg11 : memref<!tpu.dma_semaphore, #tpu.memory_space<semaphore_mem>>) src(%dma_wait3A_88 : memref<8192x256xf32, #tpu.memory_space<hbm>>) dst(%dma_wait3A_82 : memref<128x256xf32, #tpu.memory_space<vmem>>)
    %run_scoped3A_89 = arith.constant 1 : i32
    "tpu.region"() ({
      %run_scoped3A_98 = tpu.sem_alloc : memref<!tpu.dma_semaphore, #tpu.memory_space<semaphore_mem>>
      %dma_start3A_99 = arith.constant 0 : i32
      %dma_start3A_100 = tpu.memref_slice %arg7[%run_scoped3A_89, %dma_start3A_99] : memref<2x128xi32, #tpu.memory_space<vmem>> -> memref<1x128xi32, #tpu.memory_space<vmem>>
      %dma_start3A_101 = tpu.memref_squeeze %dma_start3A_100 : memref<1x128xi32, #tpu.memory_space<vmem>> -> memref<128xi32, #tpu.memory_space<vmem>>
      %dma_start3A_102 = arith.constant 0 : i32
      %dma_start3A_103 = tpu.memref_slice %arg9[%dma_start3A_102] : memref<8192xf32, #tpu.memory_space<vmem_shared>> -> memref<8192xf32, #tpu.memory_space<vmem_shared>>
      tpu.enqueue_indirect_dma source(%arg10 : memref<128xf32, #tpu.memory_space<vmem>>) target(%dma_start3A_103 : memref<8192xf32, #tpu.memory_space<vmem_shared>>) offsets(%dma_start3A_101 : memref<128xi32, #tpu.memory_space<vmem>>) semaphore(%run_scoped3A_98 : memref<!tpu.dma_semaphore, #tpu.memory_space<semaphore_mem>>) {add = true}
      %dma_wait3A_104 = arith.constant 0 : i32
      %dma_wait3A_105 = tpu.memref_slice %arg7[%run_scoped3A_89, %dma_wait3A_104] : memref<2x128xi32, #tpu.memory_space<vmem>> -> memref<1x128xi32, #tpu.memory_space<vmem>>
      %dma_wait3A_106 = tpu.memref_squeeze %dma_wait3A_105 : memref<1x128xi32, #tpu.memory_space<vmem>> -> memref<128xi32, #tpu.memory_space<vmem>>
      %dma_wait3A_107 = arith.constant 0 : i32
      %dma_wait3A_108 = tpu.memref_slice %arg9[%dma_wait3A_107] : memref<8192xf32, #tpu.memory_space<vmem_shared>> -> memref<8192xf32, #tpu.memory_space<vmem_shared>>
      tpu.wait_indirect_dma semaphore(%run_scoped3A_98 : memref<!tpu.dma_semaphore, #tpu.memory_space<semaphore_mem>>) src(%arg10 : memref<128xf32, #tpu.memory_space<vmem>>) dst(%dma_wait3A_108 : memref<8192xf32, #tpu.memory_space<vmem_shared>>)
      tpu.yield
    }) : () -> ()
    %mul3A_90 = arith.constant 256 : i32
    %mul3A_91 = arith.muli %add3A, %mul3A_90 : i32
    "tpu.region"() ({
      %run_scoped3A_98 = tpu.sem_alloc : memref<!tpu.dma_semaphore, #tpu.memory_space<semaphore_mem>>
      %dma_start3A_99 = arith.constant 0 : i32
      %dma_start3A_100 = tpu.memref_slice %arg5[%mul3A_91, %dma_start3A_99] : memref<8192x256xf32, #tpu.memory_space<hbm>> -> memref<256x256xf32, #tpu.memory_space<hbm>>
      %dma_start3A_101 = arith.constant 0 : i32
      %dma_start3A_102 = tpu.memref_slice %arg5[%mul3A_91, %dma_start3A_101] : memref<8192x256xf32, #tpu.memory_space<hbm>> -> memref<256x256xf32, #tpu.memory_space<hbm>>
      tpu.enqueue_dma source(%arg8 : memref<256x256xf32, #tpu.memory_space<vmem>>) target(%dma_start3A_102 : memref<256x256xf32, #tpu.memory_space<hbm>>) target_semaphore(%run_scoped3A_98 : memref<!tpu.dma_semaphore, #tpu.memory_space<semaphore_mem>>)
      %dma_wait3A_103 = arith.constant 0 : i32
      %dma_wait3A_104 = tpu.memref_slice %arg5[%mul3A_91, %dma_wait3A_103] : memref<8192x256xf32, #tpu.memory_space<hbm>> -> memref<256x256xf32, #tpu.memory_space<hbm>>
      %dma_wait3A_105 = arith.constant 0 : i32
      %dma_wait3A_106 = tpu.memref_slice %arg5[%mul3A_91, %dma_wait3A_105] : memref<8192x256xf32, #tpu.memory_space<hbm>> -> memref<256x256xf32, #tpu.memory_space<hbm>>
      tpu.wait_dma2 semaphore(%run_scoped3A_98 : memref<!tpu.dma_semaphore, #tpu.memory_space<semaphore_mem>>) src(%arg8 : memref<256x256xf32, #tpu.memory_space<vmem>>) dst(%dma_wait3A_106 : memref<256x256xf32, #tpu.memory_space<hbm>>)
      tpu.yield
    }) : () -> ()
    %barrier3A_92 = arith.constant 0 : index
    tpu.barrier barrier_id(%barrier3A_92)
    %eq3A_93 = arith.constant 0 : i32
    %eq3A_94 = arith.cmpi eq, %arg1, %eq3A_93 : i32
    %convert_element_type3A_95 = arith.extui %eq3A_94 : i1 to i32
    %cond3A_96 = arith.constant 0 : i32
    %cond3A_97 = arith.cmpi ne, %convert_element_type3A_95, %cond3A_96 : i32
    scf.if %cond3A_97 {
      "tpu.region"() ({
        %run_scoped3A_98 = tpu.sem_alloc : memref<!tpu.dma_semaphore, #tpu.memory_space<semaphore_mem>>
        %dma_start3A_99 = arith.constant 0 : i32
        %dma_start3A_100 = tpu.memref_slice %arg6[%arg0, %dma_start3A_99] : memref<2x8192xf32, #tpu.memory_space<hbm>> -> memref<1x8192xf32, #tpu.memory_space<hbm>>
        %dma_start3A_101 = tpu.memref_squeeze %dma_start3A_100 : memref<1x8192xf32, #tpu.memory_space<hbm>> -> memref<8192xf32, #tpu.memory_space<hbm>>
        tpu.enqueue_dma source(%arg9 : memref<8192xf32, #tpu.memory_space<vmem_shared>>) target(%dma_start3A_101 : memref<8192xf32, #tpu.memory_space<hbm>>) target_semaphore(%run_scoped3A_98 : memref<!tpu.dma_semaphore, #tpu.memory_space<semaphore_mem>>)
        %dma_wait3A_102 = arith.constant 0 : i32
        %dma_wait3A_103 = tpu.memref_slice %arg6[%arg0, %dma_wait3A_102] : memref<2x8192xf32, #tpu.memory_space<hbm>> -> memref<1x8192xf32, #tpu.memory_space<hbm>>
        %dma_wait3A_104 = tpu.memref_squeeze %dma_wait3A_103 : memref<1x8192xf32, #tpu.memory_space<hbm>> -> memref<8192xf32, #tpu.memory_space<hbm>>
        tpu.wait_dma2 semaphore(%run_scoped3A_98 : memref<!tpu.dma_semaphore, #tpu.memory_space<semaphore_mem>>) src(%arg9 : memref<8192xf32, #tpu.memory_space<vmem_shared>>) dst(%dma_wait3A_104 : memref<8192xf32, #tpu.memory_space<hbm>>)
        tpu.yield
      }) : () -> ()
    } else {
    }
    return
  }
}

module attributes {stable_mosaic.version = 14 : i64} {
  func.func @_argmin_body(%arg0: i32, %arg1: i32, %arg2: memref<4096x1xf32, #tpu.memory_space<vmem>>, %arg3: memref<1x2048xf32, #tpu.memory_space<vmem>>, %arg4: memref<4096x256xbf16, #tpu.memory_space<vmem>>, %arg5: memref<2048x256xbf16, #tpu.memory_space<vmem>>, %arg6: memref<4096x1xi32, #tpu.memory_space<vmem>>, %arg7: memref<4096x1xf32, #tpu.memory_space<vmem>>, %arg8: memref<4096x1xi32, #tpu.memory_space<vmem>>) attributes {dimension_semantics = [#tpu.dimension_semantics<arbitrary>, #tpu.dimension_semantics<arbitrary>], iteration_bounds = array<i64: 2, 4>, scalar_prefetch = 0 : i64, scratch_operands = 2 : i64, tpu.core_type = #tpu.core_type<tc>, window_params = [{transform_indices = @transform_0, window_bounds = array<i64: 4096, 1>}, {transform_indices = @transform_1, window_bounds = array<i64: 1, 2048>}, {transform_indices = @transform_2, window_bounds = array<i64: 4096, 256>}, {transform_indices = @transform_3, window_bounds = array<i64: 2048, 256>}, {transform_indices = @transform_4, window_bounds = array<i64: 4096, 1>}]} {
    %get3A = arith.constant 0 : index
    %get3A_0 = arith.constant 0 : index
    %get3A_1 = vector.load %arg2[%get3A, %get3A_0] : memref<4096x1xf32, #tpu.memory_space<vmem>>, vector<4096x1xf32>
    %get3A_2 = arith.constant 0 : index
    %get3A_3 = arith.constant 0 : index
    %get3A_4 = vector.load %arg4[%get3A_2, %get3A_3] : memref<4096x256xbf16, #tpu.memory_space<vmem>>, vector<4096x256xbf16>
    %iota3A = tpu.iota {dimensions = array<i32: 1>} : vector<4096x128xi32>
    %get3A_5 = arith.constant 0 : index
    %get3A_6 = arith.constant 0 : index
    %get3A_7 = vector.load %arg5[%get3A_5, %get3A_6] : memref<2048x256xbf16, #tpu.memory_space<vmem>>, vector<512x256xbf16>
    %dot_general3A = arith.constant dense<0.000000e+00> : vector<4096x512xf32>
    %dot_general3A_8 = tpu.matmul %get3A_4, %get3A_7, %dot_general3A {dimension_numbers = #tpu.dot_dimension_numbers<[1], [1], [0], [0], [0, 0, 1, 0], [], []>, transpose_lhs_hint = false} : vector<4096x256xbf16>, vector<512x256xbf16>, vector<4096x512xf32> -> vector<4096x512xf32>
    %get3A_9 = arith.constant 0 : index
    %get3A_10 = arith.constant 0 : index
    %get3A_11 = vector.load %arg3[%get3A_9, %get3A_10] : memref<1x2048xf32, #tpu.memory_space<vmem>>, vector<1x512xf32>
    %add3A = vector.broadcast %get3A_1 : vector<4096x1xf32> to vector<4096x512xf32>
    %add3A_12 = vector.broadcast %get3A_11 : vector<1x512xf32> to vector<4096x512xf32>
    %add3A_13 = arith.addf %add3A, %add3A_12 : vector<4096x512xf32>
    %sub3A = arith.subf %add3A_13, %dot_general3A_8 : vector<4096x512xf32>
    %slice3A = vector.extract_strided_slice %sub3A {offsets = [0, 0], sizes = [4096, 128], strides = [1, 1]} : vector<4096x512xf32> to vector<4096x128xf32>
    %broadcast_in_dim3A = arith.constant 0 : i32
    %broadcast_in_dim3A_14 = vector.broadcast %broadcast_in_dim3A : i32 to vector<4096x128xi32>
    %slice3A_15 = vector.extract_strided_slice %sub3A {offsets = [0, 128], sizes = [4096, 128], strides = [1, 1]} : vector<4096x512xf32> to vector<4096x128xf32>
    %lt3A = arith.cmpf olt, %slice3A_15, %slice3A : vector<4096x128xf32>
    %select_n3A = arith.select %lt3A, %slice3A_15, %slice3A : vector<4096x128xi1>, vector<4096x128xf32>
    %broadcast_in_dim3A_16 = arith.constant 1 : i32
    %broadcast_in_dim3A_17 = vector.broadcast %broadcast_in_dim3A_16 : i32 to vector<4096x128xi32>
    %select_n3A_18 = arith.select %lt3A, %broadcast_in_dim3A_17, %broadcast_in_dim3A_14 : vector<4096x128xi1>, vector<4096x128xi32>
    %slice3A_19 = vector.extract_strided_slice %sub3A {offsets = [0, 256], sizes = [4096, 128], strides = [1, 1]} : vector<4096x512xf32> to vector<4096x128xf32>
    %lt3A_20 = arith.cmpf olt, %slice3A_19, %select_n3A : vector<4096x128xf32>
    %select_n3A_21 = arith.select %lt3A_20, %slice3A_19, %select_n3A : vector<4096x128xi1>, vector<4096x128xf32>
    %broadcast_in_dim3A_22 = arith.constant 2 : i32
    %broadcast_in_dim3A_23 = vector.broadcast %broadcast_in_dim3A_22 : i32 to vector<4096x128xi32>
    %select_n3A_24 = arith.select %lt3A_20, %broadcast_in_dim3A_23, %select_n3A_18 : vector<4096x128xi1>, vector<4096x128xi32>
    %slice3A_25 = vector.extract_strided_slice %sub3A {offsets = [0, 384], sizes = [4096, 128], strides = [1, 1]} : vector<4096x512xf32> to vector<4096x128xf32>
    %lt3A_26 = arith.cmpf olt, %slice3A_25, %select_n3A_21 : vector<4096x128xf32>
    %select_n3A_27 = arith.select %lt3A_26, %slice3A_25, %select_n3A_21 : vector<4096x128xi1>, vector<4096x128xf32>
    %broadcast_in_dim3A_28 = arith.constant 3 : i32
    %broadcast_in_dim3A_29 = vector.broadcast %broadcast_in_dim3A_28 : i32 to vector<4096x128xi32>
    %select_n3A_30 = arith.select %lt3A_26, %broadcast_in_dim3A_29, %select_n3A_24 : vector<4096x128xi1>, vector<4096x128xi32>
    %get3A_31 = arith.constant 512 : index
    %get3A_32 = arith.constant 0 : index
    %get3A_33 = vector.load %arg5[%get3A_31, %get3A_32] : memref<2048x256xbf16, #tpu.memory_space<vmem>>, vector<512x256xbf16>
    %dot_general3A_34 = arith.constant dense<0.000000e+00> : vector<4096x512xf32>
    %dot_general3A_35 = tpu.matmul %get3A_4, %get3A_33, %dot_general3A_34 {dimension_numbers = #tpu.dot_dimension_numbers<[1], [1], [0], [0], [0, 0, 1, 0], [], []>, transpose_lhs_hint = false} : vector<4096x256xbf16>, vector<512x256xbf16>, vector<4096x512xf32> -> vector<4096x512xf32>
    %get3A_36 = arith.constant 0 : index
    %get3A_37 = arith.constant 512 : index
    %get3A_38 = vector.load %arg3[%get3A_36, %get3A_37] : memref<1x2048xf32, #tpu.memory_space<vmem>>, vector<1x512xf32>
    %add3A_39 = vector.broadcast %get3A_1 : vector<4096x1xf32> to vector<4096x512xf32>
    %add3A_40 = vector.broadcast %get3A_38 : vector<1x512xf32> to vector<4096x512xf32>
    %add3A_41 = arith.addf %add3A_39, %add3A_40 : vector<4096x512xf32>
    %sub3A_42 = arith.subf %add3A_41, %dot_general3A_35 : vector<4096x512xf32>
    %slice3A_43 = vector.extract_strided_slice %sub3A_42 {offsets = [0, 0], sizes = [4096, 128], strides = [1, 1]} : vector<4096x512xf32> to vector<4096x128xf32>
    %lt3A_44 = arith.cmpf olt, %slice3A_43, %select_n3A_27 : vector<4096x128xf32>
    %select_n3A_45 = arith.select %lt3A_44, %slice3A_43, %select_n3A_27 : vector<4096x128xi1>, vector<4096x128xf32>
    %broadcast_in_dim3A_46 = arith.constant 4 : i32
    %broadcast_in_dim3A_47 = vector.broadcast %broadcast_in_dim3A_46 : i32 to vector<4096x128xi32>
    %select_n3A_48 = arith.select %lt3A_44, %broadcast_in_dim3A_47, %select_n3A_30 : vector<4096x128xi1>, vector<4096x128xi32>
    %slice3A_49 = vector.extract_strided_slice %sub3A_42 {offsets = [0, 128], sizes = [4096, 128], strides = [1, 1]} : vector<4096x512xf32> to vector<4096x128xf32>
    %lt3A_50 = arith.cmpf olt, %slice3A_49, %select_n3A_45 : vector<4096x128xf32>
    %select_n3A_51 = arith.select %lt3A_50, %slice3A_49, %select_n3A_45 : vector<4096x128xi1>, vector<4096x128xf32>
    %broadcast_in_dim3A_52 = arith.constant 5 : i32
    %broadcast_in_dim3A_53 = vector.broadcast %broadcast_in_dim3A_52 : i32 to vector<4096x128xi32>
    %select_n3A_54 = arith.select %lt3A_50, %broadcast_in_dim3A_53, %select_n3A_48 : vector<4096x128xi1>, vector<4096x128xi32>
    %slice3A_55 = vector.extract_strided_slice %sub3A_42 {offsets = [0, 256], sizes = [4096, 128], strides = [1, 1]} : vector<4096x512xf32> to vector<4096x128xf32>
    %lt3A_56 = arith.cmpf olt, %slice3A_55, %select_n3A_51 : vector<4096x128xf32>
    %select_n3A_57 = arith.select %lt3A_56, %slice3A_55, %select_n3A_51 : vector<4096x128xi1>, vector<4096x128xf32>
    %broadcast_in_dim3A_58 = arith.constant 6 : i32
    %broadcast_in_dim3A_59 = vector.broadcast %broadcast_in_dim3A_58 : i32 to vector<4096x128xi32>
    %select_n3A_60 = arith.select %lt3A_56, %broadcast_in_dim3A_59, %select_n3A_54 : vector<4096x128xi1>, vector<4096x128xi32>
    %slice3A_61 = vector.extract_strided_slice %sub3A_42 {offsets = [0, 384], sizes = [4096, 128], strides = [1, 1]} : vector<4096x512xf32> to vector<4096x128xf32>
    %lt3A_62 = arith.cmpf olt, %slice3A_61, %select_n3A_57 : vector<4096x128xf32>
    %select_n3A_63 = arith.select %lt3A_62, %slice3A_61, %select_n3A_57 : vector<4096x128xi1>, vector<4096x128xf32>
    %broadcast_in_dim3A_64 = arith.constant 7 : i32
    %broadcast_in_dim3A_65 = vector.broadcast %broadcast_in_dim3A_64 : i32 to vector<4096x128xi32>
    %select_n3A_66 = arith.select %lt3A_62, %broadcast_in_dim3A_65, %select_n3A_60 : vector<4096x128xi1>, vector<4096x128xi32>
    %get3A_67 = arith.constant 1024 : index
    %get3A_68 = arith.constant 0 : index
    %get3A_69 = vector.load %arg5[%get3A_67, %get3A_68] : memref<2048x256xbf16, #tpu.memory_space<vmem>>, vector<512x256xbf16>
    %dot_general3A_70 = arith.constant dense<0.000000e+00> : vector<4096x512xf32>
    %dot_general3A_71 = tpu.matmul %get3A_4, %get3A_69, %dot_general3A_70 {dimension_numbers = #tpu.dot_dimension_numbers<[1], [1], [0], [0], [0, 0, 1, 0], [], []>, transpose_lhs_hint = false} : vector<4096x256xbf16>, vector<512x256xbf16>, vector<4096x512xf32> -> vector<4096x512xf32>
    %get3A_72 = arith.constant 0 : index
    %get3A_73 = arith.constant 1024 : index
    %get3A_74 = vector.load %arg3[%get3A_72, %get3A_73] : memref<1x2048xf32, #tpu.memory_space<vmem>>, vector<1x512xf32>
    %add3A_75 = vector.broadcast %get3A_1 : vector<4096x1xf32> to vector<4096x512xf32>
    %add3A_76 = vector.broadcast %get3A_74 : vector<1x512xf32> to vector<4096x512xf32>
    %add3A_77 = arith.addf %add3A_75, %add3A_76 : vector<4096x512xf32>
    %sub3A_78 = arith.subf %add3A_77, %dot_general3A_71 : vector<4096x512xf32>
    %slice3A_79 = vector.extract_strided_slice %sub3A_78 {offsets = [0, 0], sizes = [4096, 128], strides = [1, 1]} : vector<4096x512xf32> to vector<4096x128xf32>
    %lt3A_80 = arith.cmpf olt, %slice3A_79, %select_n3A_63 : vector<4096x128xf32>
    %select_n3A_81 = arith.select %lt3A_80, %slice3A_79, %select_n3A_63 : vector<4096x128xi1>, vector<4096x128xf32>
    %broadcast_in_dim3A_82 = arith.constant 8 : i32
    %broadcast_in_dim3A_83 = vector.broadcast %broadcast_in_dim3A_82 : i32 to vector<4096x128xi32>
    %select_n3A_84 = arith.select %lt3A_80, %broadcast_in_dim3A_83, %select_n3A_66 : vector<4096x128xi1>, vector<4096x128xi32>
    %slice3A_85 = vector.extract_strided_slice %sub3A_78 {offsets = [0, 128], sizes = [4096, 128], strides = [1, 1]} : vector<4096x512xf32> to vector<4096x128xf32>
    %lt3A_86 = arith.cmpf olt, %slice3A_85, %select_n3A_81 : vector<4096x128xf32>
    %select_n3A_87 = arith.select %lt3A_86, %slice3A_85, %select_n3A_81 : vector<4096x128xi1>, vector<4096x128xf32>
    %broadcast_in_dim3A_88 = arith.constant 9 : i32
    %broadcast_in_dim3A_89 = vector.broadcast %broadcast_in_dim3A_88 : i32 to vector<4096x128xi32>
    %select_n3A_90 = arith.select %lt3A_86, %broadcast_in_dim3A_89, %select_n3A_84 : vector<4096x128xi1>, vector<4096x128xi32>
    %slice3A_91 = vector.extract_strided_slice %sub3A_78 {offsets = [0, 256], sizes = [4096, 128], strides = [1, 1]} : vector<4096x512xf32> to vector<4096x128xf32>
    %lt3A_92 = arith.cmpf olt, %slice3A_91, %select_n3A_87 : vector<4096x128xf32>
    %select_n3A_93 = arith.select %lt3A_92, %slice3A_91, %select_n3A_87 : vector<4096x128xi1>, vector<4096x128xf32>
    %broadcast_in_dim3A_94 = arith.constant 10 : i32
    %broadcast_in_dim3A_95 = vector.broadcast %broadcast_in_dim3A_94 : i32 to vector<4096x128xi32>
    %select_n3A_96 = arith.select %lt3A_92, %broadcast_in_dim3A_95, %select_n3A_90 : vector<4096x128xi1>, vector<4096x128xi32>
    %slice3A_97 = vector.extract_strided_slice %sub3A_78 {offsets = [0, 384], sizes = [4096, 128], strides = [1, 1]} : vector<4096x512xf32> to vector<4096x128xf32>
    %lt3A_98 = arith.cmpf olt, %slice3A_97, %select_n3A_93 : vector<4096x128xf32>
    %select_n3A_99 = arith.select %lt3A_98, %slice3A_97, %select_n3A_93 : vector<4096x128xi1>, vector<4096x128xf32>
    %broadcast_in_dim3A_100 = arith.constant 11 : i32
    %broadcast_in_dim3A_101 = vector.broadcast %broadcast_in_dim3A_100 : i32 to vector<4096x128xi32>
    %select_n3A_102 = arith.select %lt3A_98, %broadcast_in_dim3A_101, %select_n3A_96 : vector<4096x128xi1>, vector<4096x128xi32>
    %get3A_103 = arith.constant 1536 : index
    %get3A_104 = arith.constant 0 : index
    %get3A_105 = vector.load %arg5[%get3A_103, %get3A_104] : memref<2048x256xbf16, #tpu.memory_space<vmem>>, vector<512x256xbf16>
    %dot_general3A_106 = arith.constant dense<0.000000e+00> : vector<4096x512xf32>
    %dot_general3A_107 = tpu.matmul %get3A_4, %get3A_105, %dot_general3A_106 {dimension_numbers = #tpu.dot_dimension_numbers<[1], [1], [0], [0], [0, 0, 1, 0], [], []>, transpose_lhs_hint = false} : vector<4096x256xbf16>, vector<512x256xbf16>, vector<4096x512xf32> -> vector<4096x512xf32>
    %get3A_108 = arith.constant 0 : index
    %get3A_109 = arith.constant 1536 : index
    %get3A_110 = vector.load %arg3[%get3A_108, %get3A_109] : memref<1x2048xf32, #tpu.memory_space<vmem>>, vector<1x512xf32>
    %add3A_111 = vector.broadcast %get3A_1 : vector<4096x1xf32> to vector<4096x512xf32>
    %add3A_112 = vector.broadcast %get3A_110 : vector<1x512xf32> to vector<4096x512xf32>
    %add3A_113 = arith.addf %add3A_111, %add3A_112 : vector<4096x512xf32>
    %sub3A_114 = arith.subf %add3A_113, %dot_general3A_107 : vector<4096x512xf32>
    %slice3A_115 = vector.extract_strided_slice %sub3A_114 {offsets = [0, 0], sizes = [4096, 128], strides = [1, 1]} : vector<4096x512xf32> to vector<4096x128xf32>
    %lt3A_116 = arith.cmpf olt, %slice3A_115, %select_n3A_99 : vector<4096x128xf32>
    %select_n3A_117 = arith.select %lt3A_116, %slice3A_115, %select_n3A_99 : vector<4096x128xi1>, vector<4096x128xf32>
    %broadcast_in_dim3A_118 = arith.constant 12 : i32
    %broadcast_in_dim3A_119 = vector.broadcast %broadcast_in_dim3A_118 : i32 to vector<4096x128xi32>
    %select_n3A_120 = arith.select %lt3A_116, %broadcast_in_dim3A_119, %select_n3A_102 : vector<4096x128xi1>, vector<4096x128xi32>
    %slice3A_121 = vector.extract_strided_slice %sub3A_114 {offsets = [0, 128], sizes = [4096, 128], strides = [1, 1]} : vector<4096x512xf32> to vector<4096x128xf32>
    %lt3A_122 = arith.cmpf olt, %slice3A_121, %select_n3A_117 : vector<4096x128xf32>
    %select_n3A_123 = arith.select %lt3A_122, %slice3A_121, %select_n3A_117 : vector<4096x128xi1>, vector<4096x128xf32>
    %broadcast_in_dim3A_124 = arith.constant 13 : i32
    %broadcast_in_dim3A_125 = vector.broadcast %broadcast_in_dim3A_124 : i32 to vector<4096x128xi32>
    %select_n3A_126 = arith.select %lt3A_122, %broadcast_in_dim3A_125, %select_n3A_120 : vector<4096x128xi1>, vector<4096x128xi32>
    %slice3A_127 = vector.extract_strided_slice %sub3A_114 {offsets = [0, 256], sizes = [4096, 128], strides = [1, 1]} : vector<4096x512xf32> to vector<4096x128xf32>
    %lt3A_128 = arith.cmpf olt, %slice3A_127, %select_n3A_123 : vector<4096x128xf32>
    %select_n3A_129 = arith.select %lt3A_128, %slice3A_127, %select_n3A_123 : vector<4096x128xi1>, vector<4096x128xf32>
    %broadcast_in_dim3A_130 = arith.constant 14 : i32
    %broadcast_in_dim3A_131 = vector.broadcast %broadcast_in_dim3A_130 : i32 to vector<4096x128xi32>
    %select_n3A_132 = arith.select %lt3A_128, %broadcast_in_dim3A_131, %select_n3A_126 : vector<4096x128xi1>, vector<4096x128xi32>
    %slice3A_133 = vector.extract_strided_slice %sub3A_114 {offsets = [0, 384], sizes = [4096, 128], strides = [1, 1]} : vector<4096x512xf32> to vector<4096x128xf32>
    %lt3A_134 = arith.cmpf olt, %slice3A_133, %select_n3A_129 : vector<4096x128xf32>
    %select_n3A_135 = arith.select %lt3A_134, %slice3A_133, %select_n3A_129 : vector<4096x128xi1>, vector<4096x128xf32>
    %broadcast_in_dim3A_136 = arith.constant 15 : i32
    %broadcast_in_dim3A_137 = vector.broadcast %broadcast_in_dim3A_136 : i32 to vector<4096x128xi32>
    %select_n3A_138 = arith.select %lt3A_134, %broadcast_in_dim3A_137, %select_n3A_132 : vector<4096x128xi1>, vector<4096x128xi32>
    %reduce_min3A = arith.constant dense<0x7F800000> : vector<4096xf32>
    %reduce_min3A_139 = vector.multi_reduction <minimumf>, %select_n3A_135, %reduce_min3A [1] : vector<4096x128xf32> to vector<4096xf32>
    %broadcast_in_dim3A_140 = vector.shape_cast %reduce_min3A_139 : vector<4096xf32> to vector<4096x1xf32>
    %mul3A = arith.constant 128 : i32
    %mul3A_141 = vector.broadcast %mul3A : i32 to vector<4096x128xi32>
    %mul3A_142 = arith.muli %select_n3A_138, %mul3A_141 : vector<4096x128xi32>
    %add3A_143 = arith.addi %mul3A_142, %iota3A : vector<4096x128xi32>
    %eq3A = vector.broadcast %broadcast_in_dim3A_140 : vector<4096x1xf32> to vector<4096x128xf32>
    %eq3A_144 = arith.cmpf oeq, %select_n3A_135, %eq3A : vector<4096x128xf32>
    %jit3A = arith.constant 2147483647 : i32
    %broadcast_in_dim3A_145 = vector.broadcast %jit3A : i32 to vector<4096x128xi32>
    %select_n3A_146 = arith.select %eq3A_144, %add3A_143, %broadcast_in_dim3A_145 : vector<4096x128xi1>, vector<4096x128xi32>
    %reduce_min3A_147 = arith.constant dense<2147483647> : vector<4096xi32>
    %reduce_min3A_148 = vector.multi_reduction <minsi>, %select_n3A_146, %reduce_min3A_147 [1] : vector<4096x128xi32> to vector<4096xi32>
    %broadcast_in_dim3A_149 = vector.shape_cast %reduce_min3A_148 : vector<4096xi32> to vector<4096x1xi32>
    %mul3A_150 = arith.constant 2048 : i32
    %mul3A_151 = arith.muli %arg1, %mul3A_150 : i32
    %add3A_152 = vector.broadcast %mul3A_151 : i32 to vector<4096x1xi32>
    %add3A_153 = arith.addi %broadcast_in_dim3A_149, %add3A_152 : vector<4096x1xi32>
    %eq3A_154 = arith.constant 0 : i32
    %eq3A_155 = arith.cmpi eq, %arg1, %eq3A_154 : i32
    %convert_element_type3A = arith.extui %eq3A_155 : i1 to i32
    %cond3A = arith.constant 0 : i32
    %cond3A_156 = arith.cmpi ne, %convert_element_type3A, %cond3A : i32
    scf.if %cond3A_156 {
      %convert_element_type3A_166 = arith.truncf %broadcast_in_dim3A_140 : vector<4096x1xf32> to vector<4096x1xbf16>
      %convert_element_type3A_167 = arith.extf %convert_element_type3A_166 : vector<4096x1xbf16> to vector<4096x1xf32>
      %swap3A = arith.constant 0 : index
      %swap3A_168 = arith.constant 0 : index
      %swap3A_169 = vector.load %arg7[%swap3A, %swap3A_168] : memref<4096x1xf32, #tpu.memory_space<vmem>>, vector<4096x1xf32>
      tpu.vector_store %arg7[%swap3A, %swap3A_168], %convert_element_type3A_167 {strides = array<i32>} : memref<4096x1xf32, #tpu.memory_space<vmem>>, vector<4096x1xf32>,
      %swap3A_170 = arith.constant 0 : index
      %swap3A_171 = arith.constant 0 : index
      %swap3A_172 = vector.load %arg8[%swap3A_170, %swap3A_171] : memref<4096x1xi32, #tpu.memory_space<vmem>>, vector<4096x1xi32>
      tpu.vector_store %arg8[%swap3A_170, %swap3A_171], %add3A_153 {strides = array<i32>} : memref<4096x1xi32, #tpu.memory_space<vmem>>, vector<4096x1xi32>,
    } else {
    }
    %gt3A = arith.constant 0 : i32
    %gt3A_157 = arith.cmpi sgt, %arg1, %gt3A : i32
    %convert_element_type3A_158 = arith.extui %gt3A_157 : i1 to i32
    %cond3A_159 = arith.constant 0 : i32
    %cond3A_160 = arith.cmpi ne, %convert_element_type3A_158, %cond3A_159 : i32
    scf.if %cond3A_160 {
      %get3A_166 = arith.constant 0 : index
      %get3A_167 = arith.constant 0 : index
      %get3A_168 = vector.load %arg7[%get3A_166, %get3A_167] : memref<4096x1xf32, #tpu.memory_space<vmem>>, vector<4096x1xf32>
      %get3A_169 = arith.constant 0 : index
      %get3A_170 = arith.constant 0 : index
      %get3A_171 = vector.load %arg8[%get3A_169, %get3A_170] : memref<4096x1xi32, #tpu.memory_space<vmem>>, vector<4096x1xi32>
      %lt3A_172 = arith.cmpf olt, %broadcast_in_dim3A_140, %get3A_168 : vector<4096x1xf32>
      %eq3A_173 = arith.cmpf oeq, %broadcast_in_dim3A_140, %get3A_168 : vector<4096x1xf32>
      %lt3A_174 = arith.cmpi slt, %add3A_153, %get3A_171 : vector<4096x1xi32>
      %and3A = arith.andi %eq3A_173, %lt3A_174 : vector<4096x1xi1>
      %or3A = arith.ori %lt3A_172, %and3A : vector<4096x1xi1>
      %select_n3A_175 = arith.select %or3A, %add3A_153, %get3A_171 : vector<4096x1xi1>, vector<4096x1xi32>
      %swap3A = arith.constant 0 : index
      %swap3A_176 = arith.constant 0 : index
      %swap3A_177 = vector.load %arg8[%swap3A, %swap3A_176] : memref<4096x1xi32, #tpu.memory_space<vmem>>, vector<4096x1xi32>
      tpu.vector_store %arg8[%swap3A, %swap3A_176], %select_n3A_175 {strides = array<i32>} : memref<4096x1xi32, #tpu.memory_space<vmem>>, vector<4096x1xi32>,
      %select_n3A_178 = arith.select %or3A, %broadcast_in_dim3A_140, %get3A_168 : vector<4096x1xi1>, vector<4096x1xf32>
      %convert_element_type3A_179 = arith.truncf %select_n3A_178 : vector<4096x1xf32> to vector<4096x1xbf16>
      %convert_element_type3A_180 = arith.extf %convert_element_type3A_179 : vector<4096x1xbf16> to vector<4096x1xf32>
      %swap3A_181 = arith.constant 0 : index
      %swap3A_182 = arith.constant 0 : index
      %swap3A_183 = vector.load %arg7[%swap3A_181, %swap3A_182] : memref<4096x1xf32, #tpu.memory_space<vmem>>, vector<4096x1xf32>
      tpu.vector_store %arg7[%swap3A_181, %swap3A_182], %convert_element_type3A_180 {strides = array<i32>} : memref<4096x1xf32, #tpu.memory_space<vmem>>, vector<4096x1xf32>,
    } else {
    }
    %eq3A_161 = arith.constant 3 : i32
    %eq3A_162 = arith.cmpi eq, %arg1, %eq3A_161 : i32
    %convert_element_type3A_163 = arith.extui %eq3A_162 : i1 to i32
    %cond3A_164 = arith.constant 0 : i32
    %cond3A_165 = arith.cmpi ne, %convert_element_type3A_163, %cond3A_164 : i32
    scf.if %cond3A_165 {
      %get3A_166 = arith.constant 0 : index
      %get3A_167 = arith.constant 0 : index
      %get3A_168 = vector.load %arg8[%get3A_166, %get3A_167] : memref<4096x1xi32, #tpu.memory_space<vmem>>, vector<4096x1xi32>
      %swap3A = arith.constant 0 : index
      %swap3A_169 = arith.constant 0 : index
      %swap3A_170 = vector.load %arg6[%swap3A, %swap3A_169] : memref<4096x1xi32, #tpu.memory_space<vmem>>, vector<4096x1xi32>
      tpu.vector_store %arg6[%swap3A, %swap3A_169], %get3A_168 {strides = array<i32>} : memref<4096x1xi32, #tpu.memory_space<vmem>>, vector<4096x1xi32>,
    } else {
    }
    return
  }
  func.func @transform_0(%arg0: i32, %arg1: i32) -> (i32, i32) {
    %c0_i32 = arith.constant 0 : i32
    %c0_i32_0 = arith.constant 0 : i32
    return %arg0, %c0_i32 : i32, i32
  }
  func.func @transform_1(%arg0: i32, %arg1: i32) -> (i32, i32) {
    %c0_i32 = arith.constant 0 : i32
    %c0_i32_0 = arith.constant 0 : i32
    return %c0_i32, %arg1 : i32, i32
  }
  func.func @transform_2(%arg0: i32, %arg1: i32) -> (i32, i32) {
    %c0_i32 = arith.constant 0 : i32
    %c0_i32_0 = arith.constant 0 : i32
    return %arg0, %c0_i32 : i32, i32
  }
  func.func @transform_3(%arg0: i32, %arg1: i32) -> (i32, i32) {
    %c0_i32 = arith.constant 0 : i32
    %c0_i32_0 = arith.constant 0 : i32
    return %arg1, %c0_i32 : i32, i32
  }
  func.func @transform_4(%arg0: i32, %arg1: i32) -> (i32, i32) {
    %c0_i32 = arith.constant 0 : i32
    %c0_i32_0 = arith.constant 0 : i32
    return %arg0, %c0_i32 : i32, i32
  }
}

module attributes {stable_mosaic.version = 14 : i64} {
  func.func @_epi_body(%arg0: i32, %arg1: memref<4096x256xf32, #tpu.memory_space<vmem>>, %arg2: memref<4096x256xf32, #tpu.memory_space<vmem>>, %arg3: memref<2x8192xf32, #tpu.memory_space<vmem>>, %arg4: memref<4096x256xf32, #tpu.memory_space<vmem>>, %arg5: memref<1x1xf32, #tpu.memory_space<vmem>>, %arg6: memref<1x1xf32, #tpu.memory_space<vmem>>, %arg7: memref<1x1xf32, #tpu.memory_space<vmem>>) attributes {dimension_semantics = [#tpu.dimension_semantics<arbitrary>], iteration_bounds = array<i64: 2>, scalar_prefetch = 0 : i64, scratch_operands = 1 : i64, tpu.core_type = #tpu.core_type<tc>, window_params = [{transform_indices = @transform_0, window_bounds = array<i64: 4096, 256>}, {transform_indices = @transform_1, window_bounds = array<i64: 4096, 256>}, {pipeline_mode = #tpu.pipeline_mode<synchronous>, transform_indices = @transform_2, window_bounds = array<i64: 2, 8192>}, {transform_indices = @transform_3, window_bounds = array<i64: 4096, 256>}, {pipeline_mode = #tpu.pipeline_mode<synchronous>, transform_indices = @transform_4, window_bounds = array<i64: 1, 1>}, {pipeline_mode = #tpu.pipeline_mode<synchronous>, transform_indices = @transform_5, window_bounds = array<i64: 1, 1>}]} {
    %get3A = arith.constant 0 : index
    %get3A_0 = arith.constant 0 : index
    %get3A_1 = vector.load %arg1[%get3A, %get3A_0] : memref<4096x256xf32, #tpu.memory_space<vmem>>, vector<4096x256xf32>
    %get3A_2 = arith.constant 0 : index
    %get3A_3 = arith.constant 0 : index
    %get3A_4 = vector.load %arg2[%get3A_2, %get3A_3] : memref<4096x256xf32, #tpu.memory_space<vmem>>, vector<4096x256xf32>
    %sub3A = arith.subf %get3A_4, %get3A_1 : vector<4096x256xf32>
    %add3A = arith.addf %get3A_1, %sub3A : vector<4096x256xf32>
    %swap3A = arith.constant 0 : index
    %swap3A_5 = arith.constant 0 : index
    %swap3A_6 = vector.load %arg4[%swap3A, %swap3A_5] : memref<4096x256xf32, #tpu.memory_space<vmem>>, vector<4096x256xf32>
    tpu.vector_store %arg4[%swap3A, %swap3A_5], %add3A {strides = array<i32>} : memref<4096x256xf32, #tpu.memory_space<vmem>>, vector<4096x256xf32>,
    %sub3A_7 = arith.subf %get3A_1, %get3A_4 : vector<4096x256xf32>
    %mul3A = arith.mulf %sub3A_7, %sub3A_7 : vector<4096x256xf32>
    %reduce_sum3A = vector.shape_cast %mul3A : vector<4096x256xf32> to vector<1x4096x256xf32>
    %reduce_sum3A_8 = arith.constant dense<0.000000e+00> : vector<1xf32>
    %reduce_sum3A_9 = vector.multi_reduction <add>, %reduce_sum3A, %reduce_sum3A_8 [1, 2] : vector<1x4096x256xf32> to vector<1xf32>
    %reduce_sum3A_10 = vector.shape_cast %reduce_sum3A_9 : vector<1xf32> to vector<1x1x1xf32>
    %reduce_sum3A_11 = vector.extract %reduce_sum3A_10[0, 0, 0] : f32 from vector<1x1x1xf32>
    %broadcast_in_dim3A = vector.broadcast %reduce_sum3A_11 : f32 to vector<1x1xf32>
    %eq3A = arith.constant 0 : i32
    %eq3A_12 = arith.cmpi eq, %arg0, %eq3A : i32
    %convert_element_type3A = arith.extui %eq3A_12 : i1 to i32
    %cond3A = arith.constant 0 : i32
    %cond3A_13 = arith.cmpi ne, %convert_element_type3A, %cond3A : i32
    scf.if %cond3A_13 {
      %swap3A_23 = arith.constant 0 : index
      %swap3A_24 = arith.constant 0 : index
      %swap3A_25 = vector.load %arg7[%swap3A_23, %swap3A_24] : memref<1x1xf32, #tpu.memory_space<vmem>>, vector<1x1xf32>
      tpu.vector_store %arg7[%swap3A_23, %swap3A_24], %broadcast_in_dim3A {strides = array<i32>} : memref<1x1xf32, #tpu.memory_space<vmem>>, vector<1x1xf32>,
      %get3A_26 = arith.constant 0 : index
      %get3A_27 = arith.constant 0 : index
      %get3A_28 = vector.load %arg3[%get3A_26, %get3A_27] : memref<2x8192xf32, #tpu.memory_space<vmem>>, vector<2x8192xf32>
      %reduce_sum3A_29 = arith.constant dense<0.000000e+00> : vector<8192xf32>
      %reduce_sum3A_30 = vector.multi_reduction <add>, %get3A_28, %reduce_sum3A_29 [0] : vector<2x8192xf32> to vector<8192xf32>
      %broadcast_in_dim3A_31 = vector.shape_cast %reduce_sum3A_30 : vector<8192xf32> to vector<1x8192xf32>
      %mul3A_32 = arith.constant 1.22070313E-4 : f32
      %mul3A_33 = vector.broadcast %mul3A_32 : f32 to vector<1x8192xf32>
      %mul3A_34 = arith.mulf %broadcast_in_dim3A_31, %mul3A_33 : vector<1x8192xf32>
      %add3A_35 = arith.constant 1.000000e-10 : f32
      %add3A_36 = vector.broadcast %add3A_35 : f32 to vector<1x8192xf32>
      %add3A_37 = arith.addf %mul3A_34, %add3A_36 : vector<1x8192xf32>
      %log3A = math.log %add3A_37 : vector<1x8192xf32>
      %mul3A_38 = arith.mulf %mul3A_34, %log3A : vector<1x8192xf32>
      %reduce_sum3A_39 = vector.shape_cast %mul3A_38 : vector<1x8192xf32> to vector<1x1x8192xf32>
      %reduce_sum3A_40 = arith.constant dense<0.000000e+00> : vector<1xf32>
      %reduce_sum3A_41 = vector.multi_reduction <add>, %reduce_sum3A_39, %reduce_sum3A_40 [1, 2] : vector<1x1x8192xf32> to vector<1xf32>
      %reduce_sum3A_42 = vector.shape_cast %reduce_sum3A_41 : vector<1xf32> to vector<1x1x1xf32>
      %reduce_sum3A_43 = vector.extract %reduce_sum3A_42[0, 0, 0] : f32 from vector<1x1x1xf32>
      %broadcast_in_dim3A_44 = vector.broadcast %reduce_sum3A_43 : f32 to vector<1x1xf32>
      %neg3A = arith.constant 0.000000e+00 : f32
      %neg3A_45 = vector.broadcast %neg3A : f32 to vector<1x1xf32>
      %neg3A_46 = arith.subf %neg3A_45, %broadcast_in_dim3A_44 : vector<1x1xf32>
      %exp3A = math.exp %neg3A_46 : vector<1x1xf32>
      %swap3A_47 = arith.constant 0 : index
      %swap3A_48 = arith.constant 0 : index
      %swap3A_49 = vector.load %arg6[%swap3A_47, %swap3A_48] : memref<1x1xf32, #tpu.memory_space<vmem>>, vector<1x1xf32>
      tpu.vector_store %arg6[%swap3A_47, %swap3A_48], %exp3A {strides = array<i32>} : memref<1x1xf32, #tpu.memory_space<vmem>>, vector<1x1xf32>,
    } else {
    }
    %gt3A = arith.constant 0 : i32
    %gt3A_14 = arith.cmpi sgt, %arg0, %gt3A : i32
    %convert_element_type3A_15 = arith.extui %gt3A_14 : i1 to i32
    %cond3A_16 = arith.constant 0 : i32
    %cond3A_17 = arith.cmpi ne, %convert_element_type3A_15, %cond3A_16 : i32
    scf.if %cond3A_17 {
      %get3A_23 = arith.constant 0 : index
      %get3A_24 = arith.constant 0 : index
      %get3A_25 = vector.load %arg7[%get3A_23, %get3A_24] : memref<1x1xf32, #tpu.memory_space<vmem>>, vector<1x1xf32>
      %add3A_26 = arith.addf %get3A_25, %broadcast_in_dim3A : vector<1x1xf32>
      %swap3A_27 = arith.constant 0 : index
      %swap3A_28 = arith.constant 0 : index
      %swap3A_29 = vector.load %arg7[%swap3A_27, %swap3A_28] : memref<1x1xf32, #tpu.memory_space<vmem>>, vector<1x1xf32>
      tpu.vector_store %arg7[%swap3A_27, %swap3A_28], %add3A_26 {strides = array<i32>} : memref<1x1xf32, #tpu.memory_space<vmem>>, vector<1x1xf32>,
    } else {
    }
    %eq3A_18 = arith.constant 1 : i32
    %eq3A_19 = arith.cmpi eq, %arg0, %eq3A_18 : i32
    %convert_element_type3A_20 = arith.extui %eq3A_19 : i1 to i32
    %cond3A_21 = arith.constant 0 : i32
    %cond3A_22 = arith.cmpi ne, %convert_element_type3A_20, %cond3A_21 : i32
    scf.if %cond3A_22 {
      %get3A_23 = arith.constant 0 : index
      %get3A_24 = arith.constant 0 : index
      %get3A_25 = vector.load %arg7[%get3A_23, %get3A_24] : memref<1x1xf32, #tpu.memory_space<vmem>>, vector<1x1xf32>
      %mul3A_26 = arith.constant 4.76837158E-7 : f32
      %mul3A_27 = vector.broadcast %mul3A_26 : f32 to vector<1x1xf32>
      %mul3A_28 = arith.mulf %get3A_25, %mul3A_27 : vector<1x1xf32>
      %mul3A_29 = arith.constant 2.500000e-01 : f32
      %mul3A_30 = vector.broadcast %mul3A_29 : f32 to vector<1x1xf32>
      %mul3A_31 = arith.mulf %mul3A_28, %mul3A_30 : vector<1x1xf32>
      %add3A_32 = arith.addf %mul3A_31, %mul3A_28 : vector<1x1xf32>
      %swap3A_33 = arith.constant 0 : index
      %swap3A_34 = arith.constant 0 : index
      %swap3A_35 = vector.load %arg5[%swap3A_33, %swap3A_34] : memref<1x1xf32, #tpu.memory_space<vmem>>, vector<1x1xf32>
      tpu.vector_store %arg5[%swap3A_33, %swap3A_34], %add3A_32 {strides = array<i32>} : memref<1x1xf32, #tpu.memory_space<vmem>>, vector<1x1xf32>,
    } else {
    }
    return
  }
  func.func @transform_0(%arg0: i32) -> (i32, i32) {
    %c0_i32 = arith.constant 0 : i32
    %c0_i32_0 = arith.constant 0 : i32
    return %arg0, %c0_i32 : i32, i32
  }
  func.func @transform_1(%arg0: i32) -> (i32, i32) {
    %c0_i32 = arith.constant 0 : i32
    %c0_i32_0 = arith.constant 0 : i32
    return %arg0, %c0_i32 : i32, i32
  }
  func.func @transform_2(%arg0: i32) -> (i32, i32) {
    %c0_i32 = arith.constant 0 : i32
    %c0_i32_0 = arith.constant 0 : i32
    %c0_i32_1 = arith.constant 0 : i32
    return %c0_i32, %c0_i32_0 : i32, i32
  }
  func.func @transform_3(%arg0: i32) -> (i32, i32) {
    %c0_i32 = arith.constant 0 : i32
    %c0_i32_0 = arith.constant 0 : i32
    return %arg0, %c0_i32 : i32, i32
  }
  func.func @transform_4(%arg0: i32) -> (i32, i32) {
    %c0_i32 = arith.constant 0 : i32
    %c0_i32_0 = arith.constant 0 : i32
    %c0_i32_1 = arith.constant 0 : i32
    return %c0_i32, %c0_i32_0 : i32, i32
  }
  func.func @transform_5(%arg0: i32) -> (i32, i32) {
    %c0_i32 = arith.constant 0 : i32
    %c0_i32_0 = arith.constant 0 : i32
    %c0_i32_1 = arith.constant 0 : i32
    return %c0_i32, %c0_i32_0 : i32, i32
  }
}

</mosaic_0001>

<sc_bundles>
// kernel: kernel.5.cloned.1.call-start
scs
__scs_entry_jumppad:
0x0: {  	(pc) =	sbr.rel $0x88, $3  }
0x1: {  	(tag) =	ssettag $0x0;
	lr =	simm.s32 $0x1  }
0x2: {  	[smem:$0x3F9F] =	sst lr;
	_ =	strace $0xD0000000  }
0x3: {  	_ = 	snop  }
0x4: {  	_ = 	snop  }
0x5: {  	_ = 	snop  }
0x6: {  	_ = 	snop  }
0x7: {  	_ = 	snop  }
__scs_overlays_trampoline_lowered:
0x8: {  	[smem:$0x3FAE] =	sst s0  }
0x9: {  	[smem:$0x3FAF] =	sst s1  }
0xa: {  	[smem:$0x3FB0] =	sst s2  }
0xb: {  	[smem:$0x3FB1] =	sst s3  }
0xc: {  	[smem:$0x3FB2] =	sst s4  }
0xd: {  	[smem:$0x3FB3] =	sst s5  }
0xe: {  	[smem:$0x3FB4] =	sst s6  }
0xf: {  	[smem:$0x3FB5] =	sst s7  }
0x10: {  	[smem:$0x3FB6] =	sst s8  }
0x11: {  	[smem:$0x3FB7] =	sst s9;
	s0 =	simm.s32 @!p0 $0x0  }
0x12: {  	s1 =	sld [smem:$0x3F9D];
	s0 =	simm.s32 @p0 $0x1  }
0x13: {  	[smem:$0x3FB8] =	sst s0;
	s0 =	simm.s32 @!p1 $0x0  }
0x14: {  	s2 =	sld [smem:$0x3F9C];
	s0 =	simm.s32 @p1 $0x1  }
0x15: {  	[smem:$0x3FB9] =	sst s0;
	s0 =	simm.s32 @!p2 $0x0  }
0x16: {  	s3 =	sld [smem:$0x3FDB];
	s0 =	simm.s32 @p2 $0x1  }
0x17: {  	s4 =	simm.s32 $0x1BF5;
	[smem:$0x3FBB] =	sst s0  }
0x18: {  	s0 =	sld [smem:$0x3F9E];
	_ =	swait.ge [sflag:s4], $0x0  }
0x19: {  	s7 =	sld [smem:$0x3F9F]  }
0x1a: {  	s8 =	sadd.s32 $0xFFFFE003, lr  }
0x1b: {  	s9 =	sadd.s32 $0xFFFFFEF7, lr;
	s5 =	simm.s32 $0xFFFFFFFF;
	p2 =	slt.u32 s8, $0xFFFFF086  }
0x1c: {  	p1 =	slt.u32 s9, $0xF7A;
	s5 =	simm.s32 @!p2 $0x0  }
0x1d: {  	s5 =	simm.s32 @p1 $0x1;
	p0 =	seq.s32 s7, s2  }
0x1e: {  	s7 =	smul.u32 @!p0 $0xF7A, s2;
	p2 =	seq.s32 @!p0 s5, $0x0  }
0x1f: {  	s9 =	smul.u32 $0xF7A, s1;
	s8 =	simm.s32 @!p0 $0x1BF5;
	p2 =	por !p2, p0  }
0x20: {  	[sflag:s8] =	ssyncset.s32 @!p0 $0xFFFFF086;
	s6 =	sadd.s32 @!p0 s3, s7;
	s7 =	simm.s32 @!p0 $0x108  }
0x21: {  	s3 =	sadd.s32 s3, s9;
	s6 =	sadd.s32 @!p0 $0x88, s6;
	s7 =	simm.s32 @p2 $0x1082  }
0x22: {  	[simem:s7], [sflag:s8] =	dma.local @!p0 [hbm:s6], $0xF7A  }
0x23: {  	s9 =	sor.u32 $0xD0000000, s2;
	s6 =	simm.s32 $0x108;
	_ =	swait.ge @!p0 [sflag:s8], $0x0  }
0x24: {  	s3 =	sadd.s32 $0x88, s3;
	s6 =	simm.s32 @!p1 $0x1082;
	[sflag:s4] =	ssyncset.s32 $0xFFFFF086  }
0x25: {  	[simem:s6], [sflag:s4] =	dma.local [hbm:s3], $0xF7A  }
0x26: {  	[smem:$0x3F9F] =	sst s1;
	(tag) =	ssettag s2;
	_ =	strace s9  }
0x27: {  	s1 =	sld [smem:$0x3FAF]  }
0x28: {  	s2 =	sld [smem:$0x3FB0]  }
0x29: {  	s4 =	sld [smem:$0x3FB2]  }
0x2a: {  	p0 =	seq.s32 s5, $0x0;
	s5 =	sld [smem:$0x3FB3]  }
0x2b: {  	s6 =	sld [smem:$0x3FB4]  }
0x2c: {  	s7 =	sld [smem:$0x3FB5]  }
0x2d: {  	s3 =	simm.s32 $0x108;
	s8 =	sld [smem:$0x3FB6]  }
0x2e: {  	s3 =	simm.s32 @!p0 $0x1082;
	s9 =	sld [smem:$0x3FB7]  }
0x2f: {  	lr =	sadd.s32 s0, s3;
	s0 =	sld [smem:$0x3FAE]  }
0x30: {  	s3 =	sld [smem:$0x3FB1]  }
0x31: {  	[smem:$0x3FBA] =	sst s10  }
0x32: {  	s10 =	sld [smem:$0x3FB8];
	_ =	sdelay $0x3  }
0x33: {  	p0 =	seq.s32 s10, $0x1;
	s10 =	sld [smem:$0x3FBA];
	_ =	sdelay $0x3  }
0x34: {  	[smem:$0x3FBA] =	sst s10  }
0x35: {  	s10 =	sld [smem:$0x3FB9];
	_ =	sdelay $0x3  }
0x36: {  	p1 =	seq.s32 s10, $0x1;
	s10 =	sld [smem:$0x3FBA];
	_ =	sdelay $0x3  }
0x37: {  	[smem:$0x3FBA] =	sst s10  }
0x38: {  	s10 =	sld [smem:$0x3FBB]  }
0x39: {  	_ = 	snop;
	(pc) =	sbr.ind lr, $3  }
0x3a: {  	_ = 	snop  }
0x3b: {  	_ = 	snop  }
0x3c: {  	p2 =	seq.s32 s10, $0x1;
	s10 =	sld [smem:$0x3FBA]  }
0x3d: {  	_ =	shalt  }
0x3e: {  	_ =	shalt  }
0x3f: {  	_ =	shalt  }
0x40: {  	_ =	shalt  }
0x41: {  	_ =	shalt  }
0x42: {  	_ =	shalt  }
0x43: {  	_ =	shalt  }
0x44: {  	_ =	shalt  }
0x45: {  	_ =	shalt  }
0x46: {  	_ =	shalt  }
0x47: {  	_ =	shalt  }
0x48: {  	_ =	shalt  }
0x49: {  	_ =	shalt  }
0x4a: {  	_ =	shalt  }
0x4b: {  	_ =	shalt  }
0x4c: {  	_ =	shalt  }
0x4d: {  	_ =	shalt  }
0x4e: {  	_ =	shalt  }
0x4f: {  	_ =	shalt  }
0x50: {  	_ =	shalt  }
0x51: {  	_ =	shalt  }
0x52: {  	_ =	shalt  }
0x53: {  	_ =	shalt  }
0x54: {  	_ =	shalt  }
0x55: {  	_ =	shalt  }
0x56: {  	_ =	shalt  }
0x57: {  	_ =	shalt  }
0x58: {  	_ =	shalt  }
0x59: {  	_ =	shalt  }
0x5a: {  	_ =	shalt  }
0x5b: {  	_ =	shalt  }
0x5c: {  	_ =	shalt  }
0x5d: {  	_ =	shalt  }
0x5e: {  	_ =	shalt  }
0x5f: {  	_ =	shalt  }
0x60: {  	_ =	shalt  }
0x61: {  	_ =	shalt  }
0x62: {  	_ =	shalt  }
0x63: {  	_ =	shalt  }
0x64: {  	_ =	shalt  }
0x65: {  	_ =	shalt  }
0x66: {  	_ =	shalt  }
0x67: {  	_ =	shalt  }
0x68: {  	_ =	shalt  }
0x69: {  	_ =	shalt  }
0x6a: {  	_ =	shalt  }
0x6b: {  	_ =	shalt  }
0x6c: {  	_ =	shalt  }
0x6d: {  	_ =	shalt  }
0x6e: {  	_ =	shalt  }
0x6f: {  	_ =	shalt  }
0x70: {  	_ =	shalt  }
0x71: {  	_ =	shalt  }
0x72: {  	_ =	shalt  }
0x73: {  	_ =	shalt  }
0x74: {  	_ =	shalt  }
0x75: {  	_ =	shalt  }
0x76: {  	_ =	shalt  }
0x77: {  	_ =	shalt  }
0x78: {  	_ =	shalt  }
0x79: {  	_ =	shalt  }
0x7a: {  	_ =	shalt  }
0x7b: {  	_ =	shalt  }
0x7c: {  	_ =	shalt  }
0x7d: {  	_ =	shalt  }
0x7e: {  	_ =	shalt  }
0x7f: {  	_ =	shalt  }
0x80: {  	_ =	shalt  }
0x81: {  	_ =	shalt  }
0x82: {  	_ =	shalt  }
0x83: {  	_ =	shalt  }
0x84: {  	_ =	shalt  }
0x85: {  	_ =	shalt  }
0x86: {  	_ =	shalt  }
0x87: {  	_ =	shalt  }
.Lfunc_end0:
.L_simem_size_0:
called_computation_lowered:
.L_overlay_start_0:
0x88: {  	s2 =	sld [smem:$0x3FD9]  }
0x89: {  	s3 =	sld [smem:$0x3FFE];
	_ =	sdelay $0x1  }
0x8a: {  	s1 =	srdreg.scid  }
0x8b: {  	s0 =	sand.u32 $0x1, s1  }
0x8c: {  	s14 =	sshll.u32 s0, $0xA;
	s2 =	sadd.s32 s3, s2  }
0x8d: {  	s2 =	sadd.s32 s2, s14  }
0x8e: {  	[smem:$0x3FC6] =	sst s2  }
0x8f: {  	_ = 	snop  }
0x90: {  	s2 =	sld [smem:$0x3FD0];
	_ =	sdelay $0x2  }
0x91: {  	s4 =	simm.s32 $0xA;
	s5 =	simm.s32 $0x10;
	s15 =	sld [smem:$0x3FC8]  }
0x92: {  	[smem:s5], [sflag:s4] =	dma.local [hbm:s2], $0x1  }
0x93: {  	_ =	swait.eq [sflag:s4], $0x1  }
0x94: {  	[sflag:s4] =	ssyncset.done $0x0  }
0x95: {  	[sflag:s4] =	ssyncadd.s32 $0xFFFFFFFF  }
0x96: {  	s16 =	sld [smem:$0x10];
	(tm) =	ssettm $0x1  }
0x97: {  	s17 =	sld [smem:$0x3FFB];
	_ =	sdelay $0x3  }
0x98: {  	_ =	strace s17  }
0x99: {  	s4 =	sld [smem:$0x3FFC];
	_ =	sdelay $0x3  }
0x9a: {  	_ =	strace s4  }
0x9b: {  	s4 =	sld [smem:$0x3FFD];
	_ =	sdelay $0x3  }
0x9c: {  	_ =	strace s4  }
0x9d: {  	_ =	strace $0x8FFFFFFF  }
0x9e: {  	s18 =	sld [smem:$0x3FDB];
	_ =	sdelay $0x1  }
0x9f: {  	s19 =	simm.s32 $_scs_section_size  }
0xa0: {  	s6 =	simm.s32 $_size__tile_overlayer_lowered;
	s7 =	simm.s32 $_tile_overlayer_lowered  }
0xa1: {  	s22 =	simm.s32 $0x1BFF;
	s21 =	sshll.u32 s7, $0x1;
	s4 =	sadd.s32 s19, s18  }
0xa2: {  	s8 =	simm.s32 $0x0;
	s20 =	sshll.u32 s6, $0x1;
	s6 =	sadd.s32 s21, s4  }
0xa3: {  	[timem:s8], [sflag:s22] =	dma.local [hbm:s6], s20  }
0xa4: {  	_ =	swait.ge [sflag:s22], s20  }
0xa5: {  	s5 =	ssub.s32 $0x0, s20;
	[sflag:s22] =	ssyncset.done $0x0  }
0xa6: {  	[sflag:s22] =	ssyncadd.s32 s5;
	_ =	sdelay $0x1  }
0xa7: {  	s23 =	simm.s32 $0x1B8B  }
0xa8: {  	_ =	swait.ge [sflag:s23], $0x1  }
0xa9: {  	[sflag:s23] =	ssyncset.done $0x0  }
0xaa: {  	s25 =	simm.s32 $0x1B8E;
	s24 =	sld [smem:$0x3FFE];
	[sflag:s23] =	ssyncadd.s32 $0xFFFFFFFF  }
0xab: {  	s26 =	simm.s32 $execute0_lowered;
	[smem:$0x3FD2] =	sst s25  }
0xac: {  	s6 =	sshll.u32 s26, $0x1;
	_ =	strace $0x80000046;
	[dreg:$0x1] =	wrdreg $0xFFFFFFFF  }
0xad: {  	s28 =	simm.s32 $_size_execute0_lowered;
	s4 =	sadd.s32 s4, s6;
	[dreg:$0x0] =	wrdreg $0x0  }
0xae: {  	s6 =	sshll.u32 s28, $0x1;
	[dreg:$0x2] =	wrdreg s4  }
0xaf: {  	[dreg:$0x3] =	wrdreg s6  }
0xb0: {  	[dreg:$0x4] =	wrdreg $0xC0  }
0xb1: {  	_ =	task [dreg:s8], $0x5FFFF  }
0xb2: {  	[dreg:$0x1] =	wrdreg $0xFFFFFFFF  }
0xb3: {  	[dreg:$0x0] =	wrdreg $0x60  }
0xb4: {  	[dreg:$0x2] =	wrdreg s15  }
0xb5: {  	[dreg:$0x3] =	wrdreg s24  }
0xb6: {  	[dreg:$0x4] =	wrdreg s16  }
0xb7: {  	[dreg:$0x5] =	wrdreg $0x101000  }
0xb8: {  	[dreg:$0x6] =	wrdreg $0x9  }
0xb9: {  	_ =	task.clear_ibuf [dreg:s8], $0x7FFFF;
	_ =	strace $0x90000046  }
0xba: {  	s29 =	simm.s32 $0x9;
	_ =	strace $0x80000048  }
0xbb: {  	_ =	swait.ge [sflag:s29], $0x1  }
0xbc: {  	[sflag:s29] =	ssyncadd.s32 $0xFFFFFFFF  }
0xbd: {  	_ =	strace $0x90000048  }
0xbe: {  	_ =	sfence  }
0xbf: {  	s30 =	sld [smem:$0x0];
	_ =	sdelay $0x2  }
0xc0: {  	s31 =	sshll.u32 s1, $0xD;
	s1 =	sshrl.u32 s1, $0x2  }
0xc1: {  	s3 =	sand.u32 $0x4000, s31;
	s1 =	sadd.s32 s1, s30  }
0xc2: {  	s0 =	sor.u32 s3, s0;
	s1 =	sshll.u32 s1, $0x11  }
0xc3: {  	s0 =	sor.u32 s1, s0  }
0xc4: {  	s0 =	sadd.s32 $0x8F2B, s0  }
0xc5: {  	[sflag:s0] =	ssyncadd.remote.s32 $0x1  }
0xc6: {  	_ =	sfence.sel $0xFFFF  }
0xc7: {  	[dreg:$0x0] =	wrdreg $0xFFFFFFFF;
	(pc) =	sbr.abs _section_cstart, $3  }
0xc8: {  	[dreg:$0x1] =	wrdreg $0xFFFFFFFF  }
0xc9: {  	_ =	task.clear_ibuf [dreg:s8], $0x2FFFF;
	_ =	strace $0x9FFFFFFF  }
0xca: {  	(tm) =	ssettm $0x7FFFFFFF  }
0xcb: {  	_ =	shalt  }
tec
execute0_lowered:
.L_overlay_start_1:
0x0: {  	(tag) =	ssettag $0x1  }
0x1: {  	s1 =	rddreg [dreg:$0x0]  }
0x2: {  	s4 =	rddreg [dreg:$0x1]  }
0x3: {  	s5 =	rddreg [dreg:$0x2]  }
0x4: {  	s2 =	rddreg [dreg:$0x3];
	s3 =	simm.s32 $0x0  }
0x5: {  	[smem:$0x7FF] =	sst s3;
	s10 =	sadd.s32 $0x1000, s4  }
0x6: {  	s15 =	simm.s32 $0x900;
	_ =	strace $0x80000047;
	[dreg:$0x5] =	wrdreg s10  }
0x7: {  	s16 =	simm.s32 $0x1100;
	[dreg:$0x9] =	wrdreg s15  }
0x8: {  	s17 =	simm.s32 $0x1900;
	[dreg:$0xa] =	wrdreg s16  }
0x9: {  	s18 =	simm.s32 $0x2100;
	[dreg:$0xb] =	wrdreg s17  }
0xa: {  	s19 =	simm.s32 $0x2900;
	[dreg:$0xc] =	wrdreg s18  }
0xb: {  	s6 =	srdreg.scid;
	s20 =	simm.s32 $0x3100;
	[dreg:$0xd] =	wrdreg s19  }
0xc: {  	s7 =	stileid.u32;
	s21 =	simm.s32 $0x3900;
	[dreg:$0xe] =	wrdreg s20  }
0xd: {  	s22 =	simm.s32 $0x4100;
	s24 =	simm.s32 $0x4900;
	[dreg:$0xf] =	wrdreg s21  }
0xe: {  	s25 =	simm.s32 $0x5100;
	s26 =	simm.s32 $0x5900;
	[dreg:$0x10] =	wrdreg s22  }
0xf: {  	s28 =	simm.s32 $0x6100;
	s29 =	simm.s32 $0x6900;
	[dreg:$0x11] =	wrdreg s24  }
0x10: {  	s30 =	simm.s32 $0x7100;
	s31 =	simm.s32 $0x7900;
	[dreg:$0x12] =	wrdreg s25  }
0x11: {  	s12 =	simm.s32 $0x8900;
	s13 =	simm.s32 $0x9100;
	[dreg:$0x13] =	wrdreg s26  }
0x12: {  	s6 =	sand.u32 $0x1, s6;
	s8 =	sshll.u32 s7, $0x1;
	[dreg:$0x14] =	wrdreg s28  }
0x13: {  	p0 =	sne.s32 s7, $0x0;
	s7 =	simm.s32 $0x100;
	[dreg:$0x15] =	wrdreg s29  }
0x14: {  	s8 =	sor.u32 s6, s8;
	s14 =	sshll.u32 s6, $0x4;
	[dreg:$0x16] =	wrdreg s30  }
0x15: {  	s23 =	ssub.s32 $0x2, s6;
	[dreg:$0x17] =	wrdreg s31;
	s10 =	simm.s32 $0x10300  }
0x16: {  	s15 =	simm.s32 $0xA100;
	s16 =	simm.s32 $0xA900;
	s17 =	simm.s32 $0xB100  }
0x17: {  	s18 =	simm.s32 $0xB900;
	s19 =	simm.s32 $0xC100;
	s20 =	simm.s32 $0xC900  }
0x18: {  	s21 =	simm.s32 $0xD100;
	s22 =	simm.s32 $0xD900;
	s24 =	simm.s32 $0xE900  }
0x19: {  	s25 =	simm.s32 $0xF100;
	s26 =	simm.s32 $0xF900;
	s9 =	sshll.u32 s8, $0x5  }
0x1a: {  	s8 =	sshll.u32 s8, $0xD;
	s6 =	sshrl.u32 s23, $0x1;
	s9 =	sadd.s32 s9, s4  }
0x1b: {  	s4 =	sadd.s32 s14, s4;
	s5 =	sadd.s32 s5, s8;
	s8 =	simm.s32 $0x1  }
0x1c: {  	s14 =	simm.s32 $0x9900;
	s9 =	sadd.s32 $0xC00, s9;
	[dreg:$0x7] =	wrdreg s5  }
0x1d: {  	v3 =	vlaneseq.u32;
	s4 =	sadd.s32 $0x1400, s4;
	s5 =	ssub.s32 s23, s6;
	[dreg:$0x6] =	wrdreg s9  }
0x1e: {  	v0 =	vimm.f32 $1.000000000e+00;
	vm0 =	vmmov $0xffff;
	v2 =	vshrl.u32 v3, $0x3;
	s6 =	simm.s32 $0x2;
	s23 =	simm.s32 $0xE100;
	[dreg:$0x8] =	wrdreg s4  }
0x1f: {  	v1 =	vand.u32 $0x7, v3;
	v3 =	vor.u32 $0x8, v3;
	v2 =	vmul.u32 $0x8, v2;
	s4 =	smax.u32 s5, $0x1;
	s5 =	sshrl.u32 @!p0 s2, $0x3;
	s9 =	simm.s32 $0x80  }
.LBB2_1:
0x20: {  	s28 =	rddreg [dreg:$0x5];
	s29 =	simm.s32 @!p0 $0x1C02  }
0x21: {  	[spmem:s5], [sflag:s29] =	dma.local @!p0 [hbm:s28], $0x400  }
0x22: {  	s28 =	simm.s32 @!p0 $0x2  }
0x23: {  	_ =	swait.ge @!p0 [sflag:s28], $0x400  }
0x24: {  	[sflag:s28] =	ssyncset.done @!p0 $0x0  }
0x25: {  	s30 =	rddreg [dreg:$0x6];
	[sflag:s28] =	ssyncadd.s32 @!p0 $0xFFFFFC00  }
0x26: {  	[tilespmem:s3], [sflag:$0x2] =	stream.linear.gather [hbm4b:s30+s3], $0x100, $0x38;
	[tilespmem:$0x10380] =	vst v63  }
0x27: {  	_ =	swait.ge [sflag:s6], $0x100  }
0x28: {  	[sflag:s6] =	ssyncset.done $0x0  }
0x29: {  	[sflag:s6] =	ssyncadd.s32 $0xFFFFFF00  }
0x2a: {  	[tilespmem:$0x10300] =	vst v0  }
0x2b: {  	[tilespmem:$0x10310] =	vst v0  }
0x2c: {  	[tilespmem:$0x10320] =	vst v0  }
0x2d: {  	[tilespmem:$0x10330] =	vst v0  }
0x2e: {  	[tilespmem:$0x10340] =	vst v0  }
0x2f: {  	[tilespmem:$0x10350] =	vst v0  }
0x30: {  	[tilespmem:$0x10360] =	vst v0  }
0x31: {  	[tilespmem:$0x10370] =	vst v0  }
0x32: {  	[bflag:$0x0] =	sbarrier.arrive $0xFFFF  }
0x33: {  	v4 =	vld [tilespmem:$0x0];
	_ =	sdelay $0x4  }
0x34: {  	v5 =	vshll.u32 v4, $0x1  }
0x35: {  	v4 =	vand.u32 $0x7, v4;
	v5 =	vand.u32 $0xFFFFFFF0, v5  }
0x36: {  	v4 =	vor.u32 v4, v5  }
0x37: {  	v5 =	vperm.xlane v4, v1;
	_ =	sdelay $0x1  }
0x38: {  	v4 =	vperm.xlane v4, v3;
	v5 =	vadd.s32 v2, v5;
	_ =	sdelay $0x1  }
0x39: {  	v4 =	vadd.s32 v2, v4;
	_ =	sdelay $0x2  }
0x3a: {  	[tilespmem:s7], [sflag:$0x1] =	stream.indirect_vreg.gather [hbm4b:s1+s3], $0x80, v5, vm0, $0xb8;
	[tilespmem:$0x10380] =	vst v63  }
0x3b: {  	s0 =	rddreg [dreg:$0x9]  }
0x3c: {  	[tilespmem:s0], [sflag:$0x1] =	stream.indirect_vreg.gather [hbm4b:s1+s3], $0x80, v4, vm0, $0xb8;
	[tilespmem:$0x10380] =	vst v63  }
0x3d: {  	v4 =	vld [tilespmem:$0x10];
	_ =	sdelay $0x4  }
0x3e: {  	v5 =	vshll.u32 v4, $0x1  }
0x3f: {  	v4 =	vand.u32 $0x7, v4;
	v5 =	vand.u32 $0xFFFFFFF0, v5  }
0x40: {  	v4 =	vor.u32 v4, v5  }
0x41: {  	v5 =	vperm.xlane v4, v1;
	_ =	sdelay $0x1  }
0x42: {  	v4 =	vperm.xlane v4, v3;
	v5 =	vadd.s32 v2, v5;
	_ =	sdelay $0x1  }
0x43: {  	v4 =	vadd.s32 v2, v4;
	_ =	sdelay $0x1  }
0x44: {  	s11 =	rddreg [dreg:$0xa]  }
0x45: {  	[tilespmem:s11], [sflag:$0x1] =	stream.indirect_vreg.gather [hbm4b:s1+s3], $0x80, v5, vm0, $0xb8;
	[tilespmem:$0x10380] =	vst v63  }
0x46: {  	s31 =	rddreg [dreg:$0xb]  }
0x47: {  	[tilespmem:s31], [sflag:$0x1] =	stream.indirect_vreg.gather [hbm4b:s1+s3], $0x80, v4, vm0, $0xb8;
	[tilespmem:$0x10380] =	vst v63  }
0x48: {  	v4 =	vld [tilespmem:$0x20];
	_ =	sdelay $0x4  }
0x49: {  	v5 =	vshll.u32 v4, $0x1  }
0x4a: {  	v4 =	vand.u32 $0x7, v4;
	v5 =	vand.u32 $0xFFFFFFF0, v5  }
0x4b: {  	v4 =	vor.u32 v4, v5  }
0x4c: {  	v5 =	vperm.xlane v4, v1;
	_ =	sdelay $0x1  }
0x4d: {  	v4 =	vperm.xlane v4, v3;
	v5 =	vadd.s32 v2, v5;
	_ =	sdelay $0x1  }
0x4e: {  	v4 =	vadd.s32 v2, v4;
	_ =	sdelay $0x1  }
0x4f: {  	s0 =	rddreg [dreg:$0xc]  }
0x50: {  	[tilespmem:s0], [sflag:$0x1] =	stream.indirect_vreg.gather [hbm4b:s1+s3], $0x80, v5, vm0, $0xb8;
	[tilespmem:$0x10380] =	vst v63  }
0x51: {  	s11 =	rddreg [dreg:$0xd]  }
0x52: {  	[tilespmem:s11], [sflag:$0x1] =	stream.indirect_vreg.gather [hbm4b:s1+s3], $0x80, v4, vm0, $0xb8;
	[tilespmem:$0x10380] =	vst v63  }
0x53: {  	v4 =	vld [tilespmem:$0x30];
	_ =	sdelay $0x4  }
0x54: {  	v5 =	vshll.u32 v4, $0x1  }
0x55: {  	v4 =	vand.u32 $0x7, v4;
	v5 =	vand.u32 $0xFFFFFFF0, v5  }
0x56: {  	v4 =	vor.u32 v4, v5  }
0x57: {  	v5 =	vperm.xlane v4, v1;
	_ =	sdelay $0x1  }
0x58: {  	v4 =	vperm.xlane v4, v3;
	v5 =	vadd.s32 v2, v5;
	_ =	sdelay $0x1  }
0x59: {  	v4 =	vadd.s32 v2, v4;
	_ =	sdelay $0x1  }
0x5a: {  	s0 =	rddreg [dreg:$0xe]  }
0x5b: {  	[tilespmem:s0], [sflag:$0x1] =	stream.indirect_vreg.gather [hbm4b:s1+s3], $0x80, v5, vm0, $0xb8;
	[tilespmem:$0x10380] =	vst v63  }
0x5c: {  	s11 =	rddreg [dreg:$0xf]  }
0x5d: {  	[tilespmem:s11], [sflag:$0x1] =	stream.indirect_vreg.gather [hbm4b:s1+s3], $0x80, v4, vm0, $0xb8;
	[tilespmem:$0x10380] =	vst v63  }
0x5e: {  	v4 =	vld [tilespmem:$0x40];
	_ =	sdelay $0x4  }
0x5f: {  	v5 =	vshll.u32 v4, $0x1  }
0x60: {  	v4 =	vand.u32 $0x7, v4;
	v5 =	vand.u32 $0xFFFFFFF0, v5  }
0x61: {  	v4 =	vor.u32 v4, v5  }
0x62: {  	v5 =	vperm.xlane v4, v1;
	_ =	sdelay $0x1  }
0x63: {  	v4 =	vperm.xlane v4, v3;
	v5 =	vadd.s32 v2, v5;
	_ =	sdelay $0x1  }
0x64: {  	v4 =	vadd.s32 v2, v4;
	_ =	sdelay $0x1  }
0x65: {  	s0 =	rddreg [dreg:$0x10]  }
0x66: {  	[tilespmem:s0], [sflag:$0x1] =	stream.indirect_vreg.gather [hbm4b:s1+s3], $0x80, v5, vm0, $0xb8;
	[tilespmem:$0x10380] =	vst v63  }
0x67: {  	s11 =	rddreg [dreg:$0x11]  }
0x68: {  	[tilespmem:s11], [sflag:$0x1] =	stream.indirect_vreg.gather [hbm4b:s1+s3], $0x80, v4, vm0, $0xb8;
	[tilespmem:$0x10380] =	vst v63  }
0x69: {  	v4 =	vld [tilespmem:$0x50];
	_ =	sdelay $0x4  }
0x6a: {  	v5 =	vshll.u32 v4, $0x1  }
0x6b: {  	v4 =	vand.u32 $0x7, v4;
	v5 =	vand.u32 $0xFFFFFFF0, v5  }
0x6c: {  	v4 =	vor.u32 v4, v5  }
0x6d: {  	v5 =	vperm.xlane v4, v1;
	_ =	sdelay $0x1  }
0x6e: {  	v4 =	vperm.xlane v4, v3;
	v5 =	vadd.s32 v2, v5;
	_ =	sdelay $0x1  }
0x6f: {  	v4 =	vadd.s32 v2, v4;
	_ =	sdelay $0x1  }
0x70: {  	s0 =	rddreg [dreg:$0x12]  }
0x71: {  	[tilespmem:s0], [sflag:$0x1] =	stream.indirect_vreg.gather [hbm4b:s1+s3], $0x80, v5, vm0, $0xb8;
	[tilespmem:$0x10380] =	vst v63  }
0x72: {  	s11 =	rddreg [dreg:$0x13]  }
0x73: {  	[tilespmem:s11], [sflag:$0x1] =	stream.indirect_vreg.gather [hbm4b:s1+s3], $0x80, v4, vm0, $0xb8;
	[tilespmem:$0x10380] =	vst v63  }
0x74: {  	v4 =	vld [tilespmem:$0x60];
	_ =	sdelay $0x4  }
0x75: {  	v5 =	vshll.u32 v4, $0x1  }
0x76: {  	v4 =	vand.u32 $0x7, v4;
	v5 =	vand.u32 $0xFFFFFFF0, v5  }
0x77: {  	v4 =	vor.u32 v4, v5  }
0x78: {  	v5 =	vperm.xlane v4, v1;
	_ =	sdelay $0x1  }
0x79: {  	v4 =	vperm.xlane v4, v3;
	v5 =	vadd.s32 v2, v5;
	_ =	sdelay $0x1  }
0x7a: {  	v4 =	vadd.s32 v2, v4;
	_ =	sdelay $0x1  }
0x7b: {  	s0 =	rddreg [dreg:$0x14]  }
0x7c: {  	[tilespmem:s0], [sflag:$0x1] =	stream.indirect_vreg.gather [hbm4b:s1+s3], $0x80, v5, vm0, $0xb8;
	[tilespmem:$0x10380] =	vst v63  }
0x7d: {  	s11 =	rddreg [dreg:$0x15]  }
0x7e: {  	[tilespmem:s11], [sflag:$0x1] =	stream.indirect_vreg.gather [hbm4b:s1+s3], $0x80, v4, vm0, $0xb8;
	[tilespmem:$0x10380] =	vst v63  }
0x7f: {  	v4 =	vld [tilespmem:$0x70];
	_ =	sdelay $0x4  }
0x80: {  	v5 =	vshll.u32 v4, $0x1  }
0x81: {  	v4 =	vand.u32 $0x7, v4;
	v5 =	vand.u32 $0xFFFFFFF0, v5  }
0x82: {  	v4 =	vor.u32 v4, v5  }
0x83: {  	v5 =	vperm.xlane v4, v1;
	_ =	sdelay $0x1  }
0x84: {  	v4 =	vperm.xlane v4, v3;
	v5 =	vadd.s32 v2, v5;
	_ =	sdelay $0x1  }
0x85: {  	v4 =	vadd.s32 v2, v4;
	_ =	sdelay $0x1  }
0x86: {  	s0 =	rddreg [dreg:$0x16]  }
0x87: {  	[tilespmem:s0], [sflag:$0x1] =	stream.indirect_vreg.gather [hbm4b:s1+s3], $0x80, v5, vm0, $0xb8;
	[tilespmem:$0x10380] =	vst v63  }
0x88: {  	s11 =	rddreg [dreg:$0x17]  }
0x89: {  	[tilespmem:s11], [sflag:$0x1] =	stream.indirect_vreg.gather [hbm4b:s1+s3], $0x80, v4, vm0, $0xb8;
	[tilespmem:$0x10380] =	vst v63  }
0x8a: {  	_ =	swait.ge [sflag:s8], $0x8000  }
0x8b: {  	[sflag:s8] =	ssyncset.done $0x0  }
0x8c: {  	[sflag:s8] =	ssyncadd.s32 $0xFFFF8000  }
0x8d: {  	[spmem:s2] =	stream.indirect.scatter.add.f32 [tilespmem:s10], [sflag:$0x2], $0x1, s3, s9, $0xb8;
	[tilespmem:$0x10380] =	vst v63  }
0x8e: {  	_ =	swait.ge [sflag:s6], $0x80  }
0x8f: {  	[sflag:s6] =	ssyncset.done $0x0  }
0x90: {  	[sflag:s6] =	ssyncadd.s32 $0xFFFFFF80  }
0x91: {  	v4 =	vld [tilespmem:$0x80];
	_ =	sdelay $0x4  }
0x92: {  	v5 =	vshll.u32 v4, $0x1  }
0x93: {  	v4 =	vand.u32 $0x7, v4;
	v5 =	vand.u32 $0xFFFFFFF0, v5  }
0x94: {  	v4 =	vor.u32 v4, v5  }
0x95: {  	v5 =	vperm.xlane v4, v1;
	_ =	sdelay $0x1  }
0x96: {  	v4 =	vperm.xlane v4, v3;
	v5 =	vadd.s32 v2, v5;
	_ =	sdelay $0x1  }
0x97: {  	v4 =	vadd.s32 v2, v4;
	_ =	sdelay $0x1  }
0x98: {  	s0 =	simm.s32 $0x8100  }
0x99: {  	[tilespmem:s0], [sflag:$0x1] =	stream.indirect_vreg.gather [hbm4b:s1+s3], $0x80, v5, vm0, $0xb8;
	[tilespmem:$0x10380] =	vst v63  }
0x9a: {  	_ = 	snop  }
0x9b: {  	[tilespmem:s12], [sflag:$0x1] =	stream.indirect_vreg.gather [hbm4b:s1+s3], $0x80, v4, vm0, $0xb8;
	[tilespmem:$0x10380] =	vst v63  }
0x9c: {  	v4 =	vld [tilespmem:$0x90];
	_ =	sdelay $0x4  }
0x9d: {  	v5 =	vshll.u32 v4, $0x1  }
0x9e: {  	v4 =	vand.u32 $0x7, v4;
	v5 =	vand.u32 $0xFFFFFFF0, v5  }
0x9f: {  	v4 =	vor.u32 v4, v5  }
0xa0: {  	v5 =	vperm.xlane v4, v1;
	_ =	sdelay $0x1  }
0xa1: {  	v4 =	vperm.xlane v4, v3;
	v5 =	vadd.s32 v2, v5;
	_ =	sdelay $0x1  }
0xa2: {  	v4 =	vadd.s32 v2, v4;
	_ =	sdelay $0x2  }
0xa3: {  	[tilespmem:s13], [sflag:$0x1] =	stream.indirect_vreg.gather [hbm4b:s1+s3], $0x80, v5, vm0, $0xb8;
	[tilespmem:$0x10380] =	vst v63  }
0xa4: {  	_ = 	snop  }
0xa5: {  	[tilespmem:s14], [sflag:$0x1] =	stream.indirect_vreg.gather [hbm4b:s1+s3], $0x80, v4, vm0, $0xb8;
	[tilespmem:$0x10380] =	vst v63  }
0xa6: {  	v4 =	vld [tilespmem:$0xA0];
	_ =	sdelay $0x4  }
0xa7: {  	v5 =	vshll.u32 v4, $0x1  }
0xa8: {  	v4 =	vand.u32 $0x7, v4;
	v5 =	vand.u32 $0xFFFFFFF0, v5  }
0xa9: {  	v4 =	vor.u32 v4, v5  }
0xaa: {  	v5 =	vperm.xlane v4, v1;
	_ =	sdelay $0x1  }
0xab: {  	v4 =	vperm.xlane v4, v3;
	v5 =	vadd.s32 v2, v5;
	_ =	sdelay $0x1  }
0xac: {  	v4 =	vadd.s32 v2, v4;
	_ =	sdelay $0x2  }
0xad: {  	[tilespmem:s15], [sflag:$0x1] =	stream.indirect_vreg.gather [hbm4b:s1+s3], $0x80, v5, vm0, $0xb8;
	[tilespmem:$0x10380] =	vst v63  }
0xae: {  	_ = 	snop  }
0xaf: {  	[tilespmem:s16], [sflag:$0x1] =	stream.indirect_vreg.gather [hbm4b:s1+s3], $0x80, v4, vm0, $0xb8;
	[tilespmem:$0x10380] =	vst v63  }
0xb0: {  	v4 =	vld [tilespmem:$0xB0];
	_ =	sdelay $0x4  }
0xb1: {  	v5 =	vshll.u32 v4, $0x1  }
0xb2: {  	v4 =	vand.u32 $0x7, v4;
	v5 =	vand.u32 $0xFFFFFFF0, v5  }
0xb3: {  	v4 =	vor.u32 v4, v5  }
0xb4: {  	v5 =	vperm.xlane v4, v1;
	_ =	sdelay $0x1  }
0xb5: {  	v4 =	vperm.xlane v4, v3;
	v5 =	vadd.s32 v2, v5;
	_ =	sdelay $0x1  }
0xb6: {  	v4 =	vadd.s32 v2, v4;
	_ =	sdelay $0x2  }
0xb7: {  	[tilespmem:s17], [sflag:$0x1] =	stream.indirect_vreg.gather [hbm4b:s1+s3], $0x80, v5, vm0, $0xb8;
	[tilespmem:$0x10380] =	vst v63  }
0xb8: {  	_ = 	snop  }
0xb9: {  	[tilespmem:s18], [sflag:$0x1] =	stream.indirect_vreg.gather [hbm4b:s1+s3], $0x80, v4, vm0, $0xb8;
	[tilespmem:$0x10380] =	vst v63  }
0xba: {  	v4 =	vld [tilespmem:$0xC0];
	_ =	sdelay $0x4  }
0xbb: {  	v5 =	vshll.u32 v4, $0x1  }
0xbc: {  	v4 =	vand.u32 $0x7, v4;
	v5 =	vand.u32 $0xFFFFFFF0, v5  }
0xbd: {  	v4 =	vor.u32 v4, v5  }
0xbe: {  	v5 =	vperm.xlane v4, v1;
	_ =	sdelay $0x1  }
0xbf: {  	v4 =	vperm.xlane v4, v3;
	v5 =	vadd.s32 v2, v5;
	_ =	sdelay $0x1  }
0xc0: {  	v4 =	vadd.s32 v2, v4;
	_ =	sdelay $0x2  }
0xc1: {  	[tilespmem:s19], [sflag:$0x1] =	stream.indirect_vreg.gather [hbm4b:s1+s3], $0x80, v5, vm0, $0xb8;
	[tilespmem:$0x10380] =	vst v63  }
0xc2: {  	_ = 	snop  }
0xc3: {  	[tilespmem:s20], [sflag:$0x1] =	stream.indirect_vreg.gather [hbm4b:s1+s3], $0x80, v4, vm0, $0xb8;
	[tilespmem:$0x10380] =	vst v63  }
0xc4: {  	v4 =	vld [tilespmem:$0xD0];
	_ =	sdelay $0x4  }
0xc5: {  	v5 =	vshll.u32 v4, $0x1  }
0xc6: {  	v4 =	vand.u32 $0x7, v4;
	v5 =	vand.u32 $0xFFFFFFF0, v5  }
0xc7: {  	v4 =	vor.u32 v4, v5  }
0xc8: {  	v5 =	vperm.xlane v4, v1;
	_ =	sdelay $0x1  }
0xc9: {  	v4 =	vperm.xlane v4, v3;
	v5 =	vadd.s32 v2, v5;
	_ =	sdelay $0x1  }
0xca: {  	v4 =	vadd.s32 v2, v4;
	_ =	sdelay $0x2  }
0xcb: {  	[tilespmem:s21], [sflag:$0x1] =	stream.indirect_vreg.gather [hbm4b:s1+s3], $0x80, v5, vm0, $0xb8;
	[tilespmem:$0x10380] =	vst v63  }
0xcc: {  	_ = 	snop  }
0xcd: {  	[tilespmem:s22], [sflag:$0x1] =	stream.indirect_vreg.gather [hbm4b:s1+s3], $0x80, v4, vm0, $0xb8;
	[tilespmem:$0x10380] =	vst v63  }
0xce: {  	v4 =	vld [tilespmem:$0xE0];
	_ =	sdelay $0x4  }
0xcf: {  	v5 =	vshll.u32 v4, $0x1  }
0xd0: {  	v4 =	vand.u32 $0x7, v4;
	v5 =	vand.u32 $0xFFFFFFF0, v5  }
0xd1: {  	v4 =	vor.u32 v4, v5  }
0xd2: {  	v5 =	vperm.xlane v4, v1;
	_ =	sdelay $0x1  }
0xd3: {  	v4 =	vperm.xlane v4, v3;
	v5 =	vadd.s32 v2, v5;
	_ =	sdelay $0x1  }
0xd4: {  	v4 =	vadd.s32 v2, v4;
	_ =	sdelay $0x2  }
0xd5: {  	[tilespmem:s23], [sflag:$0x1] =	stream.indirect_vreg.gather [hbm4b:s1+s3], $0x80, v5, vm0, $0xb8;
	[tilespmem:$0x10380] =	vst v63  }
0xd6: {  	_ = 	snop  }
0xd7: {  	[tilespmem:s24], [sflag:$0x1] =	stream.indirect_vreg.gather [hbm4b:s1+s3], $0x80, v4, vm0, $0xb8;
	[tilespmem:$0x10380] =	vst v63  }
0xd8: {  	v4 =	vld [tilespmem:$0xF0];
	_ =	sdelay $0x4  }
0xd9: {  	v5 =	vshll.u32 v4, $0x1  }
0xda: {  	v4 =	vand.u32 $0x7, v4;
	v5 =	vand.u32 $0xFFFFFFF0, v5  }
0xdb: {  	v4 =	vor.u32 v4, v5  }
0xdc: {  	v5 =	vperm.xlane v4, v1;
	_ =	sdelay $0x1  }
0xdd: {  	v4 =	vperm.xlane v4, v3;
	v5 =	vadd.s32 v2, v5;
	_ =	sdelay $0x1  }
0xde: {  	v4 =	vadd.s32 v2, v4;
	_ =	sdelay $0x2  }
0xdf: {  	[tilespmem:s25], [sflag:$0x1] =	stream.indirect_vreg.gather [hbm4b:s1+s3], $0x80, v5, vm0, $0xb8;
	[tilespmem:$0x10380] =	vst v63  }
0xe0: {  	_ = 	snop  }
0xe1: {  	[tilespmem:s26], [sflag:$0x1] =	stream.indirect_vreg.gather [hbm4b:s1+s3], $0x80, v4, vm0, $0xb8;
	[tilespmem:$0x10380] =	vst v63  }
0xe2: {  	_ =	swait.ge [sflag:s8], $0x8000  }
0xe3: {  	[sflag:s8] =	ssyncset.done $0x0  }
0xe4: {  	[sflag:s8] =	ssyncadd.s32 $0xFFFF8000  }
0xe5: {  	[spmem:s2] =	stream.indirect.scatter.add.f32 [tilespmem:s10], [sflag:$0x2], $0x1, s9, s9, $0xb8;
	[tilespmem:$0x10380] =	vst v63  }
0xe6: {  	_ =	swait.ge [sflag:s6], $0x80  }
0xe7: {  	[sflag:s6] =	ssyncset.done $0x0  }
0xe8: {  	s31 =	rddreg [dreg:$0x7];
	[sflag:s6] =	ssyncadd.s32 $0xFFFFFF80  }
0xe9: {  	[hbm4b:s31+s3] =	stream.linear.scatter [tilespmem:s7], [sflag:$0x2], $0x10000, $0x38;
	[tilespmem:$0x10380] =	vst v63  }
0xea: {  	_ =	swait.ge [sflag:s6], $0x10000  }
0xeb: {  	s4 =	sadd.s32 $0xFFFFFFFF, s4;
	[sflag:s6] =	ssyncset.done $0x0  }
0xec: {  	p1 =	sne.s32 s4, $0x0;
	[sflag:s6] =	ssyncadd.s32 $0xFFFF0000  }
0xed: {  	s11 =	simm.s32 @!p0 $0x10;
	s0 =	simm.s32 @!p0 $0x20;
	[bflag:$0x0] =	sbarrier.arrive $0xFFFF  }
.Ltmp0:
0xee: {  	s31 =	simm.s32 @!p0 $0x1;
	s30 =	rddreg [dreg:$0x8];
	(pc) =	sbr.rel @p1 .LBB2_1-.Ltmp0, $4  }
0xef: {  	[hbm:s30@s0], [sflag:s29] =	dma.strided @!p0 [spmem:s5@s11], $0x400, s31, $0x10   }
0xf0: {  	_ =	swait.ge @!p0 [sflag:s28], $0x400  }
0xf1: {  	[sflag:s28] =	ssyncset.done @!p0 $0x0  }
0xf2: {  	[sflag:s28] =	ssyncadd.s32 @!p0 $0xFFFFFC00  }
0xf3: {  	_ =	sfence.sel $0x180000  }
0xf4: {  	[bflag:$0x0] =	sbarrier.arrive $0xFFFF  }
0xf5: {  	_ =	strace $0x90000047  }
0xf6: {  	[bflag:$0x2] =	sbarrier.arrive $0xFFFF  }
0xf7: {  	s0 =	rddreg [dreg:$0x4]  }
0xf8: {  	s0 =	sadd.s32 @!p0 $0x100000, s0  }
0xf9: {  	[sflag:s0] =	ssyncadd.tile.s32 @!p0 $0x1;
	_ =	shalt  }
.Lfunc_end2:
_tile_overlayer_lowered:
.L_overlay_start_2:
0xfa: {  	(tag) =	ssettag $0x2  }
0xfb: {  	s0 =	rddreg [dreg:$0x0];
	s2 =	stileid.u32  }
0xfc: {  	s1 =	rddreg [dreg:$0x1];
	p0 =	sne.s32 s2, $0x0  }
0xfd: {  	s3 =	rddreg [dreg:$0x2];
	[bflag:$0x3] =	sbarrier.arrive $0xFFFF;
	s2 =	simm.s32 @!p0 $0x1C02  }
0xfe: {  	[timem:s3], [sflag:s2] =	dma.local @!p0 [hbm:s0], s1  }
0xff: {  	s0 =	simm.s32 @!p0 $0x2  }
0x100: {  	_ =	swait.ge @!p0 [sflag:s0], s1  }
0x101: {  	s1 =	ssub.s32 @!p0 $0x0, s1;
	[sflag:s0] =	ssyncset.done @!p0 $0x0  }
0x102: {  	[sflag:s0] =	ssyncadd.s32 @!p0 s1  }
0x103: {  	[bflag:$0x3] =	sbarrier.arrive $0xFFFF  }
0x104: {  	_ =	shalt  }

</sc_bundles>
